<compile_context>
chip_gen: v7x
topology: tpu7x:2x2x1
jax: 0.10.2.dev20260603
libtpu: 0.0.44.dev20260713+nightly
codegen_flags: <defaults>
</compile_context>

<pallas_src>
import jax
import jax.numpy as jnp
from jax import lax
from jax.experimental import pallas as pl
from jax.experimental.pallas import tpu as pltpu
from jax.experimental.pallas import tpu_sc as plsc

_N = 10000
_NPAD = 10240
_D = 128
_E = 320000
_NC = 2
_NS = 16
_NW = _NC * _NS
_CH = 80
_G = 125
_RPT = _NPAD // _NS
_ZR = 128
_NDUMP = _RPT // _ZR
_BLK = 256


def _sc_agg_body(with_counts, *refs):
    if with_counts:
        (table, il, agg_out, cnt_out,
         idxw0, idxw1, dstw0, dstw1, buf0, buf1, bounce, cnt_v, agg_sh,
         sem_g0, sem_s0, sem_i0, sem_i1) = refs
    else:
        (table, il, agg_out,
         idxw0, idxw1, dstw0, dstw1, buf0, buf1, bounce, agg_sh,
         sem_g0, sem_s0, sem_i0, sem_i1) = refs
    c = lax.axis_index("c")
    s = lax.axis_index("s")
    wid = s * _NC + c
    ebase = wid * _G * 2 * _CH
    zeros16 = jnp.zeros((16,), jnp.float32)
    ones16 = jnp.ones((16,), jnp.float32)

    def _zb(i, carry):
        r = i // (_D // 16)
        col = (i % (_D // 16)) * 16
        bounce[r, pl.ds(col, 16)] = zeros16
        return carry
    lax.fori_loop(0, _ZR * _D // 16, _zb, 0)
    base = s * _RPT
    for r in range(_NDUMP):
        pltpu.sync_copy(bounce, agg_sh.at[pl.ds(base + r * _ZR, _ZR)])
    if with_counts:
        def _zc(i, carry):
            cnt_v[pl.ds(i * 16, 16)] = zeros16
            return carry
        lax.fori_loop(0, _NPAD // 16, _zc, 0)
    plsc.subcore_barrier()

    def _counts(w):
        if with_counts:
            for k in range(_CH // 16):
                idx = w[pl.ds(k * 16, 16)]
                plsc.addupdate_scatter(cnt_v, [idx], ones16)

    def _load_idx(j, iw, dw):
        b = ebase + j * 2 * _CH
        pltpu.sync_copy(il.at[pl.ds(b, 2 * _CH)], iw)
        for k in range(_CH // 16):
            dw[pl.ds(k * 16, 16)] = iw[pl.ds(_CH + k * 16, 16)]

    def _fire_idx(j, iw, sem):
        jc = jnp.minimum(j, _G - 1)
        pltpu.async_copy(il.at[pl.ds(ebase + jc * 2 * _CH, 2 * _CH)], iw, sem)

    def _drain_idx(iw, dw, sem):
        pltpu.make_async_copy(il.at[pl.ds(0, 2 * _CH)], iw, sem).wait()
        for k in range(_CH // 16):
            dw[pl.ds(k * 16, 16)] = iw[pl.ds(_CH + k * 16, 16)]

    def _drain_scatter(buf):
        pltpu.make_async_copy(buf, agg_sh.at[pl.ds(0, _CH)], sem_s0).wait()

    _fire_idx(1, idxw1, sem_i1)
    _load_idx(0, idxw0, dstw0)
    pltpu.async_copy(table.at[idxw0.at[pl.ds(0, _CH)]], buf0, sem_g0).wait()
    pltpu.async_copy(buf0, agg_sh.at[dstw0], sem_s0, add=True)
    _counts(dstw0)

    def _step(it, carry):
        j0 = 1 + it * 2
        _drain_idx(idxw1, dstw1, sem_i1)
        pltpu.async_copy(table.at[idxw1.at[pl.ds(0, _CH)]], buf1, sem_g0).wait()
        _drain_scatter(buf0)
        _fire_idx(j0 + 1, idxw0, sem_i0)
        pltpu.async_copy(buf1, agg_sh.at[dstw1], sem_s0, add=True)
        _counts(dstw1)
        _drain_idx(idxw0, dstw0, sem_i0)
        pltpu.async_copy(table.at[idxw0.at[pl.ds(0, _CH)]], buf0, sem_g0).wait()
        _drain_scatter(buf1)
        _fire_idx(j0 + 2, idxw1, sem_i1)
        pltpu.async_copy(buf0, agg_sh.at[dstw0], sem_s0, add=True)
        _counts(dstw0)
        return carry
    lax.fori_loop(0, (_G - 1) // 2, _step, 0)
    _drain_scatter(buf0)
    pltpu.make_async_copy(il.at[pl.ds(0, 2 * _CH)], idxw1, sem_i1).wait()
    plsc.subcore_barrier()

    for r in range(_NDUMP):
        pltpu.sync_copy(agg_sh.at[pl.ds(base + r * _ZR, _ZR)], bounce)
        pltpu.sync_copy(bounce, agg_out.at[c, pl.ds(base + r * _ZR, _ZR)])
    if with_counts:
        pltpu.sync_copy(cnt_v, cnt_out.at[c, s])


def _make_sc_agg(with_counts):
    mesh = plsc.VectorSubcoreMesh(core_axis_name="c", subcore_axis_name="s",
                                  num_cores=_NC, num_subcores=_NS)
    out_type = [jax.ShapeDtypeStruct((_NC, _NPAD, _D), jnp.float32)]
    if with_counts:
        out_type.append(jax.ShapeDtypeStruct((_NC, _NS, _NPAD), jnp.float32))
    scratch = [
        pltpu.VMEM((2 * _CH,), jnp.int32),
        pltpu.VMEM((2 * _CH,), jnp.int32),
        pltpu.VMEM((_CH,), jnp.int32),
        pltpu.VMEM((_CH,), jnp.int32),
        pltpu.VMEM((_CH, _D), jnp.float32),
        pltpu.VMEM((_CH, _D), jnp.float32),
        pltpu.VMEM((_ZR, _D), jnp.float32),
    ]
    if with_counts:
        scratch.append(pltpu.VMEM((_NPAD,), jnp.float32))
    scratch.append(pltpu.VMEM_SHARED((_NPAD, _D), jnp.float32))
    scratch.extend([pltpu.SemaphoreType.DMA] * 4)

    def body(*refs):
        _sc_agg_body(with_counts, *refs)
    return pl.kernel(body, out_type=tuple(out_type), mesh=mesh,
                     compiler_params=pltpu.CompilerParams(needs_layout_passes=False),
                     scratch_types=tuple(scratch))


_SC_CACHE = {}


def _sc_agg(with_counts, *args):
    if with_counts not in _SC_CACHE:
        _SC_CACHE[with_counts] = _make_sc_agg(with_counts)
    return _SC_CACHE[with_counts](*args)


def _tc_layer1_body(agg_ref, cnt_ref, x_ref, wl_ref, wr_ref, b_ref, out_ref):
    agg = agg_ref[0] + agg_ref[1]
    cnt = jnp.sum(cnt_ref[...].reshape(_NC * _NS, _BLK), axis=0)
    inv = 1.0 / jnp.maximum(cnt, 1.0)
    mean = agg * inv[:, None]
    h = lax.dot_general(mean, wl_ref[...], (((1,), (1,)), ((), ())),
                        preferred_element_type=jnp.float32)
    h = h + lax.dot_general(x_ref[...], wr_ref[...], (((1,), (1,)), ((), ())),
                            preferred_element_type=jnp.float32)
    h = h + b_ref[...]
    out_ref[...] = jnp.maximum(h, 0.0)


def _tc_layer2_body(agg_ref, cnt_ref, x_ref, wl_ref, wr_ref, b_ref,
                    wo_ref, bo_ref, h_ref, logit_ref):
    agg = agg_ref[0] + agg_ref[1]
    cnt = jnp.sum(cnt_ref[...].reshape(_NC * _NS, _BLK), axis=0)
    inv = 1.0 / jnp.maximum(cnt, 1.0)
    mean = agg * inv[:, None]
    h = lax.dot_general(mean, wl_ref[...], (((1,), (1,)), ((), ())),
                        preferred_element_type=jnp.float32)
    h = h + lax.dot_general(x_ref[...], wr_ref[...], (((1,), (1,)), ((), ())),
                            preferred_element_type=jnp.float32)
    h = h + b_ref[...]
    h = jnp.maximum(h, 0.0)
    h_ref[...] = h
    logit_ref[...] = lax.dot_general(h, wo_ref[...], (((1,), (1,)), ((), ())),
                                     preferred_element_type=jnp.float32) + bo_ref[...]


_agg_spec = pl.BlockSpec((_NC, _BLK, _D), lambda i: (0, i, 0))
_cnt_spec = pl.BlockSpec((_NC, _NS, _BLK), lambda i: (0, 0, i))
_row_spec = pl.BlockSpec((_BLK, _D), lambda i: (i, 0))
_w_spec = pl.BlockSpec((_D, _D), lambda i: (0, 0))
_b_spec = pl.BlockSpec((1, _D), lambda i: (0, 0))


def _tc_layer1(agg, cnt, x, wl, wr, b):
    return pl.pallas_call(
        _tc_layer1_body,
        grid=(_NPAD // _BLK,),
        in_specs=[_agg_spec, _cnt_spec, _row_spec, _w_spec, _w_spec, _b_spec],
        out_specs=_row_spec,
        out_shape=jax.ShapeDtypeStruct((_NPAD, _D), jnp.float32),
    )(agg, cnt, x, wl, wr, b)


def _tc_layer2(agg, cnt, h1, wl, wr, b, wo, bo):
    return pl.pallas_call(
        _tc_layer2_body,
        grid=(_NPAD // _BLK,),
        in_specs=[_agg_spec, _cnt_spec, _row_spec, _w_spec, _w_spec, _b_spec,
                  _w_spec, _b_spec],
        out_specs=(_row_spec, _row_spec),
        out_shape=(jax.ShapeDtypeStruct((_NPAD, _D), jnp.float32),
                   jax.ShapeDtypeStruct((_NPAD, _D), jnp.float32)),
    )(agg, cnt, h1, wl, wr, b, wo, bo)


def kernel(x, edge_index, W1l, b1l, W1r, W2l, b2l, W2r, Wo, bo):
    src = edge_index[0]
    dst = edge_index[1]
    il = jnp.stack([src.reshape(-1, _CH), dst.reshape(-1, _CH)],
                   axis=1).reshape(-1)
    xp = jnp.zeros((_NPAD, _D), jnp.float32).at[:_N].set(x)
    agg1, cnt = _sc_agg(True, xp, il)
    h1 = _tc_layer1(agg1, cnt, xp, W1l, W1r, b1l.reshape(1, _D))
    (agg2,) = _sc_agg(False, h1, il)
    wo_pad = jnp.zeros((_D, _D), jnp.float32).at[:Wo.shape[0]].set(Wo)
    bo_pad = jnp.zeros((1, _D), jnp.float32).at[0, :bo.shape[0]].set(bo)
    h2, logits_pad = _tc_layer2(agg2, cnt, h1, W2l, W2r, b2l.reshape(1, _D),
                                wo_pad, bo_pad)
    return (logits_pad[:_N, :Wo.shape[0]], h2[:_N])

# --- scband reference (transcript-rebuilt; emitter-appended) ---
"""Pipeline reference for scband-graph-sageclassifier-41841571397708 (READ-ONLY COPY).

The authoritative reference and input builder live on the scoring server;
editing this copy changes nothing except your own understanding.
"""

import jax, jax.numpy as jnp
import numpy as np

N = 10000
E = 320000
D = 128
H = 128
C = 2


def _glorot(key, shape):
    fan_in = shape[1]
    return jax.random.normal(key, shape, dtype=jnp.float32) * (1.0 / np.sqrt(fan_in))


def setup_inputs(seed: int = 0) -> dict:
    key = jax.random.key(seed)
    ks = jax.random.split(key, 10)
    x = jax.random.normal(ks[0], (N, D), dtype=jnp.float32)
    edge_index = jax.random.randint(ks[1], (2, E), 0, N, dtype=jnp.int32)
    # SAGEConv params: lin_l (applied to aggregated neighbors, has bias), lin_r (root, no bias)
    W1l = _glorot(ks[2], (H, D)); b1l = jnp.zeros((H,), dtype=jnp.float32)
    W1r = _glorot(ks[3], (H, D))
    W2l = _glorot(ks[4], (H, H)); b2l = jnp.zeros((H,), dtype=jnp.float32)
    W2r = _glorot(ks[5], (H, H))
    Wo = _glorot(ks[6], (C, H)); bo = jnp.zeros((C,), dtype=jnp.float32)
    return {"x": x, "edge_index": edge_index, "W1l": W1l, "b1l": b1l, "W1r": W1r,
            "W2l": W2l, "b2l": b2l, "W2r": W2r, "Wo": Wo, "bo": bo}


def _sage_conv(x, src, dst, Wl, bl, Wr, n_nodes):
    # mean aggregation of source features at destination nodes
    msg = jnp.take(x, src, axis=0)
    agg = jax.ops.segment_sum(msg, dst, num_segments=n_nodes)
    cnt = jax.ops.segment_sum(jnp.ones((src.shape[0],), dtype=x.dtype), dst, num_segments=n_nodes)
    mean = agg / jnp.clip(cnt, 1.0, None)[:, None]
    return mean @ Wl.T + bl + x @ Wr.T


def reference(x, edge_index, W1l, b1l, W1r, W2l, b2l, W2r, Wo, bo):
    src = edge_index[0]
    dst = edge_index[1]
    h = _sage_conv(x, src, dst, W1l, b1l, W1r, x.shape[0])
    h = jax.nn.relu(h)
    # dropout in eval mode -> identity
    h = _sage_conv(h, src, dst, W2l, b2l, W2r, x.shape[0])
    h = jax.nn.relu(h)
    logits = h @ Wo.T + bo
    return (logits, h)

if __name__ == "__main__":
    import jax
    _d = setup_inputs()
    print(jax.jit(kernel)(*tuple(_d.values())))

</pallas_src>

<mosaic_0001>
#map = affine_map<(d0, d1) -> (0, 0)>
#map1 = affine_map<(d0, d1) -> (0)>
#map2 = affine_map<(d0, d1) -> (0, 0, 0)>
module attributes {stable_mosaic.version = 14 : i64} {
  func.func @body(%arg0: i32, %arg1: i32, %arg2: memref<10240x128xf32, #tpu.memory_space<hbm>>, %arg3: memref<640000xi32, #tpu.memory_space<hbm>>, %arg4: memref<2x10240x128xf32, #tpu.memory_space<hbm>>, %arg5: memref<2x16x10240xf32, #tpu.memory_space<hbm>>, %arg6: memref<160xi32, #tpu.memory_space<vmem>>, %arg7: memref<160xi32, #tpu.memory_space<vmem>>, %arg8: memref<80xi32, #tpu.memory_space<vmem>>, %arg9: memref<80xi32, #tpu.memory_space<vmem>>, %arg10: memref<80x128xf32, #tpu.memory_space<vmem>>, %arg11: memref<80x128xf32, #tpu.memory_space<vmem>>, %arg12: memref<128x128xf32, #tpu.memory_space<vmem>>, %arg13: memref<10240xf32, #tpu.memory_space<vmem>>, %arg14: memref<10240x128xf32, #tpu.memory_space<vmem_shared>>, %arg15: memref<!tpu.dma_semaphore, #tpu.memory_space<semaphore_mem>>, %arg16: memref<!tpu.dma_semaphore, #tpu.memory_space<semaphore_mem>>, %arg17: memref<!tpu.dma_semaphore, #tpu.memory_space<semaphore_mem>>, %arg18: memref<!tpu.dma_semaphore, #tpu.memory_space<semaphore_mem>>) attributes {dimension_semantics = [#tpu.dimension_semantics<core_parallel>, #tpu.dimension_semantics<subcore_parallel>], iteration_bounds = array<i64: 2, 16>, scalar_prefetch = 0 : i64, scratch_operands = 13 : i64, tpu.core_type = #tpu.core_type<sc_vector_subcore>, window_params = [{transform_indices = #map}, {transform_indices = #map1}, {transform_indices = #map2}, {transform_indices = #map2}]} {
    %mul3A = arith.constant 2 : i32
    %mul3A_0 = arith.muli %arg1, %mul3A : i32
    %add3A = arith.addi %mul3A_0, %arg0 : i32
    %mul3A_1 = arith.constant 125 : i32
    %mul3A_2 = arith.muli %add3A, %mul3A_1 : i32
    %mul3A_3 = arith.constant 2 : i32
    %mul3A_4 = arith.muli %mul3A_2, %mul3A_3 : i32
    %mul3A_5 = arith.constant 80 : i32
    %mul3A_6 = arith.muli %mul3A_4, %mul3A_5 : i32
    %broadcast_in_dim3A = arith.constant 0.000000e+00 : f32
    %broadcast_in_dim3A_7 = vector.broadcast %broadcast_in_dim3A : f32 to vector<16xf32>
    %broadcast_in_dim3A_8 = arith.constant 1.000000e+00 : f32
    %broadcast_in_dim3A_9 = vector.broadcast %broadcast_in_dim3A_8 : f32 to vector<16xf32>
    %scan3A = arith.constant 0 : i32
    %scan3A_10 = arith.constant 0 : i32
    %scan3A_11 = arith.constant 1024 : i32
    %scan3A_12 = arith.addi %scan3A_10, %scan3A_11 : i32
    %scan3A_13 = arith.constant 1 : i32
    scf.for %scan3A_120 = %scan3A_10 to %scan3A_12 step %scan3A_13  : i32 {
      %jit3A = arith.constant 8 : i32
      %div3A = arith.divsi %scan3A_120, %jit3A : i32
      %sign3A = arith.constant 0 : i32
      %sign3A_121 = arith.cmpi sgt, %scan3A_120, %sign3A : i32
      %sign3A_122 = arith.extui %sign3A_121 : i1 to i32
      %sign3A_123 = arith.constant 0 : i32
      %sign3A_124 = arith.cmpi slt, %scan3A_120, %sign3A_123 : i32
      %sign3A_125 = arith.extui %sign3A_124 : i1 to i32
      %sign3A_126 = arith.subi %sign3A_122, %sign3A_125 : i32
      %sign3A_127 = arith.constant 0 : i32
      %sign3A_128 = arith.cmpi sgt, %jit3A, %sign3A_127 : i32
      %sign3A_129 = arith.extui %sign3A_128 : i1 to i32
      %sign3A_130 = arith.constant 0 : i32
      %sign3A_131 = arith.cmpi slt, %jit3A, %sign3A_130 : i32
      %sign3A_132 = arith.extui %sign3A_131 : i1 to i32
      %sign3A_133 = arith.subi %sign3A_129, %sign3A_132 : i32
      %ne3A = arith.cmpi ne, %sign3A_126, %sign3A_133 : i32
      %rem3A = arith.remsi %scan3A_120, %jit3A : i32
      %ne3A_134 = arith.constant 0 : i32
      %ne3A_135 = arith.cmpi ne, %rem3A, %ne3A_134 : i32
      %and3A = arith.andi %ne3A, %ne3A_135 : i1
      %sub3A = arith.constant 1 : i32
      %sub3A_136 = arith.subi %div3A, %sub3A : i32
      %select_n3A = arith.select %and3A, %sub3A_136, %div3A : i32
      %jit3A_137 = arith.constant 8 : i32
      %eq3A = arith.constant 0 : i32
      %eq3A_138 = arith.cmpi eq, %jit3A_137, %eq3A : i32
      %jit3A_139 = arith.constant 1 : i32
      %select_n3A_140 = arith.select %eq3A_138, %jit3A_139, %jit3A_137 : i32
      %rem3A_141 = arith.remsi %scan3A_120, %select_n3A_140 : i32
      %ne3A_142 = arith.constant 0 : i32
      %ne3A_143 = arith.cmpi ne, %rem3A_141, %ne3A_142 : i32
      %lt3A = arith.constant 0 : i32
      %lt3A_144 = arith.cmpi slt, %rem3A_141, %lt3A : i32
      %lt3A_145 = arith.constant 0 : i32
      %lt3A_146 = arith.cmpi slt, %select_n3A_140, %lt3A_145 : i32
      %ne3A_147 = arith.xori %lt3A_144, %lt3A_146 : i1
      %and3A_148 = arith.andi %ne3A_147, %ne3A_143 : i1
      %add3A_149 = arith.addi %rem3A_141, %select_n3A_140 : i32
      %select_n3A_150 = arith.select %and3A_148, %add3A_149, %rem3A_141 : i32
      %mul3A_151 = arith.constant 16 : i32
      %mul3A_152 = arith.muli %select_n3A_150, %mul3A_151 : i32
      %swap3A_153 = arith.index_cast %select_n3A : i32 to index
      %swap3A_154 = arith.index_cast %mul3A_152 : i32 to index
      %swap3A_155 = tpu.vector_load %arg12[%swap3A_153, %swap3A_154] {strides = array<i32>} : memref<128x128xf32, #tpu.memory_space<vmem>>, vector<16xf32>,
      tpu.vector_store %arg12[%swap3A_153, %swap3A_154], %broadcast_in_dim3A_7 {strides = array<i32>} : memref<128x128xf32, #tpu.memory_space<vmem>>, vector<16xf32>,
    }
    %scan3A_14 = arith.constant 1024 : i32
    %mul3A_15 = arith.constant 640 : i32
    %mul3A_16 = arith.muli %arg1, %mul3A_15 : i32
    %add3A_17 = arith.constant 0 : i32
    %add3A_18 = arith.addi %mul3A_16, %add3A_17 : i32
    "tpu.region"() ({
      %run_scoped3A = tpu.sem_alloc : memref<!tpu.dma_semaphore, #tpu.memory_space<semaphore_mem>>
      %dma_start3A_120 = arith.constant 0 : i32
      %dma_start3A_121 = tpu.memref_slice %arg14[%add3A_18, %dma_start3A_120] : memref<10240x128xf32, #tpu.memory_space<vmem_shared>> -> memref<128x128xf32, #tpu.memory_space<vmem_shared>>
      %dma_start3A_122 = arith.constant 0 : i32
      %dma_start3A_123 = tpu.memref_slice %arg14[%add3A_18, %dma_start3A_122] : memref<10240x128xf32, #tpu.memory_space<vmem_shared>> -> memref<128x128xf32, #tpu.memory_space<vmem_shared>>
      tpu.enqueue_dma source(%arg12 : memref<128x128xf32, #tpu.memory_space<vmem>>) target(%dma_start3A_123 : memref<128x128xf32, #tpu.memory_space<vmem_shared>>) target_semaphore(%run_scoped3A : memref<!tpu.dma_semaphore, #tpu.memory_space<semaphore_mem>>)
      %dma_wait3A_124 = arith.constant 0 : i32
      %dma_wait3A_125 = tpu.memref_slice %arg14[%add3A_18, %dma_wait3A_124] : memref<10240x128xf32, #tpu.memory_space<vmem_shared>> -> memref<128x128xf32, #tpu.memory_space<vmem_shared>>
      %dma_wait3A_126 = arith.constant 0 : i32
      %dma_wait3A_127 = tpu.memref_slice %arg14[%add3A_18, %dma_wait3A_126] : memref<10240x128xf32, #tpu.memory_space<vmem_shared>> -> memref<128x128xf32, #tpu.memory_space<vmem_shared>>
      tpu.wait_dma2 semaphore(%run_scoped3A : memref<!tpu.dma_semaphore, #tpu.memory_space<semaphore_mem>>) src(%arg12 : memref<128x128xf32, #tpu.memory_space<vmem>>) dst(%dma_wait3A_127 : memref<128x128xf32, #tpu.memory_space<vmem_shared>>)
      tpu.yield
    }) : () -> ()
    %add3A_19 = arith.constant 128 : i32
    %add3A_20 = arith.addi %mul3A_16, %add3A_19 : i32
    "tpu.region"() ({
      %run_scoped3A = tpu.sem_alloc : memref<!tpu.dma_semaphore, #tpu.memory_space<semaphore_mem>>
      %dma_start3A_120 = arith.constant 0 : i32
      %dma_start3A_121 = tpu.memref_slice %arg14[%add3A_20, %dma_start3A_120] : memref<10240x128xf32, #tpu.memory_space<vmem_shared>> -> memref<128x128xf32, #tpu.memory_space<vmem_shared>>
      %dma_start3A_122 = arith.constant 0 : i32
      %dma_start3A_123 = tpu.memref_slice %arg14[%add3A_20, %dma_start3A_122] : memref<10240x128xf32, #tpu.memory_space<vmem_shared>> -> memref<128x128xf32, #tpu.memory_space<vmem_shared>>
      tpu.enqueue_dma source(%arg12 : memref<128x128xf32, #tpu.memory_space<vmem>>) target(%dma_start3A_123 : memref<128x128xf32, #tpu.memory_space<vmem_shared>>) target_semaphore(%run_scoped3A : memref<!tpu.dma_semaphore, #tpu.memory_space<semaphore_mem>>)
      %dma_wait3A_124 = arith.constant 0 : i32
      %dma_wait3A_125 = tpu.memref_slice %arg14[%add3A_20, %dma_wait3A_124] : memref<10240x128xf32, #tpu.memory_space<vmem_shared>> -> memref<128x128xf32, #tpu.memory_space<vmem_shared>>
      %dma_wait3A_126 = arith.constant 0 : i32
      %dma_wait3A_127 = tpu.memref_slice %arg14[%add3A_20, %dma_wait3A_126] : memref<10240x128xf32, #tpu.memory_space<vmem_shared>> -> memref<128x128xf32, #tpu.memory_space<vmem_shared>>
      tpu.wait_dma2 semaphore(%run_scoped3A : memref<!tpu.dma_semaphore, #tpu.memory_space<semaphore_mem>>) src(%arg12 : memref<128x128xf32, #tpu.memory_space<vmem>>) dst(%dma_wait3A_127 : memref<128x128xf32, #tpu.memory_space<vmem_shared>>)
      tpu.yield
    }) : () -> ()
    %add3A_21 = arith.constant 256 : i32
    %add3A_22 = arith.addi %mul3A_16, %add3A_21 : i32
    "tpu.region"() ({
      %run_scoped3A = tpu.sem_alloc : memref<!tpu.dma_semaphore, #tpu.memory_space<semaphore_mem>>
      %dma_start3A_120 = arith.constant 0 : i32
      %dma_start3A_121 = tpu.memref_slice %arg14[%add3A_22, %dma_start3A_120] : memref<10240x128xf32, #tpu.memory_space<vmem_shared>> -> memref<128x128xf32, #tpu.memory_space<vmem_shared>>
      %dma_start3A_122 = arith.constant 0 : i32
      %dma_start3A_123 = tpu.memref_slice %arg14[%add3A_22, %dma_start3A_122] : memref<10240x128xf32, #tpu.memory_space<vmem_shared>> -> memref<128x128xf32, #tpu.memory_space<vmem_shared>>
      tpu.enqueue_dma source(%arg12 : memref<128x128xf32, #tpu.memory_space<vmem>>) target(%dma_start3A_123 : memref<128x128xf32, #tpu.memory_space<vmem_shared>>) target_semaphore(%run_scoped3A : memref<!tpu.dma_semaphore, #tpu.memory_space<semaphore_mem>>)
      %dma_wait3A_124 = arith.constant 0 : i32
      %dma_wait3A_125 = tpu.memref_slice %arg14[%add3A_22, %dma_wait3A_124] : memref<10240x128xf32, #tpu.memory_space<vmem_shared>> -> memref<128x128xf32, #tpu.memory_space<vmem_shared>>
      %dma_wait3A_126 = arith.constant 0 : i32
      %dma_wait3A_127 = tpu.memref_slice %arg14[%add3A_22, %dma_wait3A_126] : memref<10240x128xf32, #tpu.memory_space<vmem_shared>> -> memref<128x128xf32, #tpu.memory_space<vmem_shared>>
      tpu.wait_dma2 semaphore(%run_scoped3A : memref<!tpu.dma_semaphore, #tpu.memory_space<semaphore_mem>>) src(%arg12 : memref<128x128xf32, #tpu.memory_space<vmem>>) dst(%dma_wait3A_127 : memref<128x128xf32, #tpu.memory_space<vmem_shared>>)
      tpu.yield
    }) : () -> ()
    %add3A_23 = arith.constant 384 : i32
    %add3A_24 = arith.addi %mul3A_16, %add3A_23 : i32
    "tpu.region"() ({
      %run_scoped3A = tpu.sem_alloc : memref<!tpu.dma_semaphore, #tpu.memory_space<semaphore_mem>>
      %dma_start3A_120 = arith.constant 0 : i32
      %dma_start3A_121 = tpu.memref_slice %arg14[%add3A_24, %dma_start3A_120] : memref<10240x128xf32, #tpu.memory_space<vmem_shared>> -> memref<128x128xf32, #tpu.memory_space<vmem_shared>>
      %dma_start3A_122 = arith.constant 0 : i32
      %dma_start3A_123 = tpu.memref_slice %arg14[%add3A_24, %dma_start3A_122] : memref<10240x128xf32, #tpu.memory_space<vmem_shared>> -> memref<128x128xf32, #tpu.memory_space<vmem_shared>>
      tpu.enqueue_dma source(%arg12 : memref<128x128xf32, #tpu.memory_space<vmem>>) target(%dma_start3A_123 : memref<128x128xf32, #tpu.memory_space<vmem_shared>>) target_semaphore(%run_scoped3A : memref<!tpu.dma_semaphore, #tpu.memory_space<semaphore_mem>>)
      %dma_wait3A_124 = arith.constant 0 : i32
      %dma_wait3A_125 = tpu.memref_slice %arg14[%add3A_24, %dma_wait3A_124] : memref<10240x128xf32, #tpu.memory_space<vmem_shared>> -> memref<128x128xf32, #tpu.memory_space<vmem_shared>>
      %dma_wait3A_126 = arith.constant 0 : i32
      %dma_wait3A_127 = tpu.memref_slice %arg14[%add3A_24, %dma_wait3A_126] : memref<10240x128xf32, #tpu.memory_space<vmem_shared>> -> memref<128x128xf32, #tpu.memory_space<vmem_shared>>
      tpu.wait_dma2 semaphore(%run_scoped3A : memref<!tpu.dma_semaphore, #tpu.memory_space<semaphore_mem>>) src(%arg12 : memref<128x128xf32, #tpu.memory_space<vmem>>) dst(%dma_wait3A_127 : memref<128x128xf32, #tpu.memory_space<vmem_shared>>)
      tpu.yield
    }) : () -> ()
    %add3A_25 = arith.constant 512 : i32
    %add3A_26 = arith.addi %mul3A_16, %add3A_25 : i32
    "tpu.region"() ({
      %run_scoped3A = tpu.sem_alloc : memref<!tpu.dma_semaphore, #tpu.memory_space<semaphore_mem>>
      %dma_start3A_120 = arith.constant 0 : i32
      %dma_start3A_121 = tpu.memref_slice %arg14[%add3A_26, %dma_start3A_120] : memref<10240x128xf32, #tpu.memory_space<vmem_shared>> -> memref<128x128xf32, #tpu.memory_space<vmem_shared>>
      %dma_start3A_122 = arith.constant 0 : i32
      %dma_start3A_123 = tpu.memref_slice %arg14[%add3A_26, %dma_start3A_122] : memref<10240x128xf32, #tpu.memory_space<vmem_shared>> -> memref<128x128xf32, #tpu.memory_space<vmem_shared>>
      tpu.enqueue_dma source(%arg12 : memref<128x128xf32, #tpu.memory_space<vmem>>) target(%dma_start3A_123 : memref<128x128xf32, #tpu.memory_space<vmem_shared>>) target_semaphore(%run_scoped3A : memref<!tpu.dma_semaphore, #tpu.memory_space<semaphore_mem>>)
      %dma_wait3A_124 = arith.constant 0 : i32
      %dma_wait3A_125 = tpu.memref_slice %arg14[%add3A_26, %dma_wait3A_124] : memref<10240x128xf32, #tpu.memory_space<vmem_shared>> -> memref<128x128xf32, #tpu.memory_space<vmem_shared>>
      %dma_wait3A_126 = arith.constant 0 : i32
      %dma_wait3A_127 = tpu.memref_slice %arg14[%add3A_26, %dma_wait3A_126] : memref<10240x128xf32, #tpu.memory_space<vmem_shared>> -> memref<128x128xf32, #tpu.memory_space<vmem_shared>>
      tpu.wait_dma2 semaphore(%run_scoped3A : memref<!tpu.dma_semaphore, #tpu.memory_space<semaphore_mem>>) src(%arg12 : memref<128x128xf32, #tpu.memory_space<vmem>>) dst(%dma_wait3A_127 : memref<128x128xf32, #tpu.memory_space<vmem_shared>>)
      tpu.yield
    }) : () -> ()
    %scan3A_27 = arith.constant 0 : i32
    %scan3A_28 = arith.constant 0 : i32
    %scan3A_29 = arith.constant 640 : i32
    %scan3A_30 = arith.addi %scan3A_28, %scan3A_29 : i32
    %scan3A_31 = arith.constant 1 : i32
    scf.for %scan3A_120 = %scan3A_28 to %scan3A_30 step %scan3A_31  : i32 {
      %mul3A_121 = arith.constant 16 : i32
      %mul3A_122 = arith.muli %scan3A_120, %mul3A_121 : i32
      %swap3A_123 = arith.index_cast %mul3A_122 : i32 to index
      %swap3A_124 = tpu.vector_load %arg13[%swap3A_123] {strides = array<i32>} : memref<10240xf32, #tpu.memory_space<vmem>>, vector<16xf32>,
      tpu.vector_store %arg13[%swap3A_123], %broadcast_in_dim3A_7 {strides = array<i32>} : memref<10240xf32, #tpu.memory_space<vmem>>, vector<16xf32>,
    }
    %scan3A_32 = arith.constant 640 : i32
    %barrier3A = arith.constant 0 : index
    tpu.barrier barrier_id(%barrier3A)
    %min3A = arith.constant 1 : i32
    %min3A_33 = arith.constant 124 : i32
    %min3A_34 = arith.minsi %min3A, %min3A_33 : i32
    %mul3A_35 = arith.constant 2 : i32
    %mul3A_36 = arith.muli %min3A_34, %mul3A_35 : i32
    %mul3A_37 = arith.constant 80 : i32
    %mul3A_38 = arith.muli %mul3A_36, %mul3A_37 : i32
    %add3A_39 = arith.addi %mul3A_6, %mul3A_38 : i32
    %dma_start3A = tpu.memref_slice %arg3[%add3A_39] : memref<640000xi32, #tpu.memory_space<hbm>> -> memref<160xi32, #tpu.memory_space<hbm>>
    %dma_start3A_40 = tpu.memref_slice %arg3[%add3A_39] : memref<640000xi32, #tpu.memory_space<hbm>> -> memref<160xi32, #tpu.memory_space<hbm>>
    tpu.enqueue_dma source(%dma_start3A_40 : memref<160xi32, #tpu.memory_space<hbm>>) target(%arg7 : memref<160xi32, #tpu.memory_space<vmem>>) target_semaphore(%arg18 : memref<!tpu.dma_semaphore, #tpu.memory_space<semaphore_mem>>)
    %add3A_41 = arith.constant 0 : i32
    %add3A_42 = arith.addi %mul3A_6, %add3A_41 : i32
    "tpu.region"() ({
      %run_scoped3A = tpu.sem_alloc : memref<!tpu.dma_semaphore, #tpu.memory_space<semaphore_mem>>
      %dma_start3A_120 = tpu.memref_slice %arg3[%add3A_42] : memref<640000xi32, #tpu.memory_space<hbm>> -> memref<160xi32, #tpu.memory_space<hbm>>
      %dma_start3A_121 = tpu.memref_slice %arg3[%add3A_42] : memref<640000xi32, #tpu.memory_space<hbm>> -> memref<160xi32, #tpu.memory_space<hbm>>
      tpu.enqueue_dma source(%dma_start3A_121 : memref<160xi32, #tpu.memory_space<hbm>>) target(%arg6 : memref<160xi32, #tpu.memory_space<vmem>>) target_semaphore(%run_scoped3A : memref<!tpu.dma_semaphore, #tpu.memory_space<semaphore_mem>>)
      %dma_wait3A_122 = tpu.memref_slice %arg3[%add3A_42] : memref<640000xi32, #tpu.memory_space<hbm>> -> memref<160xi32, #tpu.memory_space<hbm>>
      %dma_wait3A_123 = tpu.memref_slice %arg3[%add3A_42] : memref<640000xi32, #tpu.memory_space<hbm>> -> memref<160xi32, #tpu.memory_space<hbm>>
      tpu.wait_dma2 semaphore(%run_scoped3A : memref<!tpu.dma_semaphore, #tpu.memory_space<semaphore_mem>>) src(%dma_wait3A_123 : memref<160xi32, #tpu.memory_space<hbm>>) dst(%arg6 : memref<160xi32, #tpu.memory_space<vmem>>)
      tpu.yield
    }) : () -> ()
    %get3A = arith.constant 80 : index
    %get3A_43 = tpu.vector_load %arg6[%get3A] {strides = array<i32>} : memref<160xi32, #tpu.memory_space<vmem>>, vector<16xi32>,
    %swap3A = arith.constant 0 : index
    %swap3A_44 = tpu.vector_load %arg8[%swap3A] {strides = array<i32>} : memref<80xi32, #tpu.memory_space<vmem>>, vector<16xi32>,
    tpu.vector_store %arg8[%swap3A], %get3A_43 {strides = array<i32>} : memref<80xi32, #tpu.memory_space<vmem>>, vector<16xi32>,
    %get3A_45 = arith.constant 96 : index
    %get3A_46 = tpu.vector_load %arg6[%get3A_45] {strides = array<i32>} : memref<160xi32, #tpu.memory_space<vmem>>, vector<16xi32>,
    %swap3A_47 = arith.constant 16 : index
    %swap3A_48 = tpu.vector_load %arg8[%swap3A_47] {strides = array<i32>} : memref<80xi32, #tpu.memory_space<vmem>>, vector<16xi32>,
    tpu.vector_store %arg8[%swap3A_47], %get3A_46 {strides = array<i32>} : memref<80xi32, #tpu.memory_space<vmem>>, vector<16xi32>,
    %get3A_49 = arith.constant 112 : index
    %get3A_50 = tpu.vector_load %arg6[%get3A_49] {strides = array<i32>} : memref<160xi32, #tpu.memory_space<vmem>>, vector<16xi32>,
    %swap3A_51 = arith.constant 32 : index
    %swap3A_52 = tpu.vector_load %arg8[%swap3A_51] {strides = array<i32>} : memref<80xi32, #tpu.memory_space<vmem>>, vector<16xi32>,
    tpu.vector_store %arg8[%swap3A_51], %get3A_50 {strides = array<i32>} : memref<80xi32, #tpu.memory_space<vmem>>, vector<16xi32>,
    %get3A_53 = arith.constant 128 : index
    %get3A_54 = tpu.vector_load %arg6[%get3A_53] {strides = array<i32>} : memref<160xi32, #tpu.memory_space<vmem>>, vector<16xi32>,
    %swap3A_55 = arith.constant 48 : index
    %swap3A_56 = tpu.vector_load %arg8[%swap3A_55] {strides = array<i32>} : memref<80xi32, #tpu.memory_space<vmem>>, vector<16xi32>,
    tpu.vector_store %arg8[%swap3A_55], %get3A_54 {strides = array<i32>} : memref<80xi32, #tpu.memory_space<vmem>>, vector<16xi32>,
    %get3A_57 = arith.constant 144 : index
    %get3A_58 = tpu.vector_load %arg6[%get3A_57] {strides = array<i32>} : memref<160xi32, #tpu.memory_space<vmem>>, vector<16xi32>,
    %swap3A_59 = arith.constant 64 : index
    %swap3A_60 = tpu.vector_load %arg8[%swap3A_59] {strides = array<i32>} : memref<80xi32, #tpu.memory_space<vmem>>, vector<16xi32>,
    tpu.vector_store %arg8[%swap3A_59], %get3A_58 {strides = array<i32>} : memref<80xi32, #tpu.memory_space<vmem>>, vector<16xi32>,
    %dma_start3A_61 = arith.constant 0 : i32
    %dma_start3A_62 = tpu.memref_slice %arg6[%dma_start3A_61] : memref<160xi32, #tpu.memory_space<vmem>> -> memref<80xi32, #tpu.memory_space<vmem>>
    %dma_start3A_63 = arith.constant 0 : i32
    %dma_start3A_64 = arith.constant 0 : i32
    %dma_start3A_65 = tpu.memref_slice %arg2[%dma_start3A_63, %dma_start3A_64] : memref<10240x128xf32, #tpu.memory_space<hbm>> -> memref<10240x128xf32, #tpu.memory_space<hbm>>
    tpu.enqueue_indirect_dma source(%dma_start3A_65 : memref<10240x128xf32, #tpu.memory_space<hbm>>) target(%arg10 : memref<80x128xf32, #tpu.memory_space<vmem>>) offsets(%dma_start3A_62 : memref<80xi32, #tpu.memory_space<vmem>>) semaphore(%arg15 : memref<!tpu.dma_semaphore, #tpu.memory_space<semaphore_mem>>)
    %dma_wait3A = arith.constant 0 : i32
    %dma_wait3A_66 = tpu.memref_slice %arg6[%dma_wait3A] : memref<160xi32, #tpu.memory_space<vmem>> -> memref<80xi32, #tpu.memory_space<vmem>>
    %dma_wait3A_67 = arith.constant 0 : i32
    %dma_wait3A_68 = arith.constant 0 : i32
    %dma_wait3A_69 = tpu.memref_slice %arg2[%dma_wait3A_67, %dma_wait3A_68] : memref<10240x128xf32, #tpu.memory_space<hbm>> -> memref<10240x128xf32, #tpu.memory_space<hbm>>
    tpu.wait_indirect_dma semaphore(%arg15 : memref<!tpu.dma_semaphore, #tpu.memory_space<semaphore_mem>>) src(%dma_wait3A_69 : memref<10240x128xf32, #tpu.memory_space<hbm>>) dst(%arg10 : memref<80x128xf32, #tpu.memory_space<vmem>>)
    %dma_start3A_70 = arith.constant 0 : i32
    %dma_start3A_71 = arith.constant 0 : i32
    %dma_start3A_72 = tpu.memref_slice %arg14[%dma_start3A_70, %dma_start3A_71] : memref<10240x128xf32, #tpu.memory_space<vmem_shared>> -> memref<10240x128xf32, #tpu.memory_space<vmem_shared>>
    tpu.enqueue_indirect_dma source(%arg10 : memref<80x128xf32, #tpu.memory_space<vmem>>) target(%dma_start3A_72 : memref<10240x128xf32, #tpu.memory_space<vmem_shared>>) offsets(%arg8 : memref<80xi32, #tpu.memory_space<vmem>>) semaphore(%arg16 : memref<!tpu.dma_semaphore, #tpu.memory_space<semaphore_mem>>) {add = true}
    %get3A_73 = arith.constant 0 : index
    %get3A_74 = tpu.vector_load %arg8[%get3A_73] {strides = array<i32>} : memref<80xi32, #tpu.memory_space<vmem>>, vector<16xi32>,
    tpu.vector_store_idx %arg13[%get3A_74], %broadcast_in_dim3A_9 {add = true} : memref<10240xf32, #tpu.memory_space<vmem>>[vector<16xi32>], vector<16xf32>,
    %get3A_75 = arith.constant 16 : index
    %get3A_76 = tpu.vector_load %arg8[%get3A_75] {strides = array<i32>} : memref<80xi32, #tpu.memory_space<vmem>>, vector<16xi32>,
    tpu.vector_store_idx %arg13[%get3A_76], %broadcast_in_dim3A_9 {add = true} : memref<10240xf32, #tpu.memory_space<vmem>>[vector<16xi32>], vector<16xf32>,
    %get3A_77 = arith.constant 32 : index
    %get3A_78 = tpu.vector_load %arg8[%get3A_77] {strides = array<i32>} : memref<80xi32, #tpu.memory_space<vmem>>, vector<16xi32>,
    tpu.vector_store_idx %arg13[%get3A_78], %broadcast_in_dim3A_9 {add = true} : memref<10240xf32, #tpu.memory_space<vmem>>[vector<16xi32>], vector<16xf32>,
    %get3A_79 = arith.constant 48 : index
    %get3A_80 = tpu.vector_load %arg8[%get3A_79] {strides = array<i32>} : memref<80xi32, #tpu.memory_space<vmem>>, vector<16xi32>,
    tpu.vector_store_idx %arg13[%get3A_80], %broadcast_in_dim3A_9 {add = true} : memref<10240xf32, #tpu.memory_space<vmem>>[vector<16xi32>], vector<16xf32>,
    %get3A_81 = arith.constant 64 : index
    %get3A_82 = tpu.vector_load %arg8[%get3A_81] {strides = array<i32>} : memref<80xi32, #tpu.memory_space<vmem>>, vector<16xi32>,
    tpu.vector_store_idx %arg13[%get3A_82], %broadcast_in_dim3A_9 {add = true} : memref<10240xf32, #tpu.memory_space<vmem>>[vector<16xi32>], vector<16xf32>,
    %scan3A_83 = arith.constant 0 : i32
    %scan3A_84 = arith.constant 0 : i32
    %scan3A_85 = arith.constant 62 : i32
    %scan3A_86 = arith.addi %scan3A_84, %scan3A_85 : i32
    %scan3A_87 = arith.constant 1 : i32
    scf.for %scan3A_120 = %scan3A_84 to %scan3A_86 step %scan3A_87  : i32 {
      %mul3A_121 = arith.constant 2 : i32
      %mul3A_122 = arith.muli %scan3A_120, %mul3A_121 : i32
      %add3A_123 = arith.constant 1 : i32
      %add3A_124 = arith.addi %add3A_123, %mul3A_122 : i32
      %dma_wait3A_125 = arith.constant 0 : i32
      %dma_wait3A_126 = tpu.memref_slice %arg3[%dma_wait3A_125] : memref<640000xi32, #tpu.memory_space<hbm>> -> memref<160xi32, #tpu.memory_space<hbm>>
      %dma_wait3A_127 = arith.constant 0 : i32
      %dma_wait3A_128 = tpu.memref_slice %arg3[%dma_wait3A_127] : memref<640000xi32, #tpu.memory_space<hbm>> -> memref<160xi32, #tpu.memory_space<hbm>>
      tpu.wait_dma2 semaphore(%arg18 : memref<!tpu.dma_semaphore, #tpu.memory_space<semaphore_mem>>) src(%dma_wait3A_128 : memref<160xi32, #tpu.memory_space<hbm>>) dst(%arg7 : memref<160xi32, #tpu.memory_space<vmem>>)
      %get3A_129 = arith.constant 80 : index
      %get3A_130 = tpu.vector_load %arg7[%get3A_129] {strides = array<i32>} : memref<160xi32, #tpu.memory_space<vmem>>, vector<16xi32>,
      %swap3A_131 = arith.constant 0 : index
      %swap3A_132 = tpu.vector_load %arg9[%swap3A_131] {strides = array<i32>} : memref<80xi32, #tpu.memory_space<vmem>>, vector<16xi32>,
      tpu.vector_store %arg9[%swap3A_131], %get3A_130 {strides = array<i32>} : memref<80xi32, #tpu.memory_space<vmem>>, vector<16xi32>,
      %get3A_133 = arith.constant 96 : index
      %get3A_134 = tpu.vector_load %arg7[%get3A_133] {strides = array<i32>} : memref<160xi32, #tpu.memory_space<vmem>>, vector<16xi32>,
      %swap3A_135 = arith.constant 16 : index
      %swap3A_136 = tpu.vector_load %arg9[%swap3A_135] {strides = array<i32>} : memref<80xi32, #tpu.memory_space<vmem>>, vector<16xi32>,
      tpu.vector_store %arg9[%swap3A_135], %get3A_134 {strides = array<i32>} : memref<80xi32, #tpu.memory_space<vmem>>, vector<16xi32>,
      %get3A_137 = arith.constant 112 : index
      %get3A_138 = tpu.vector_load %arg7[%get3A_137] {strides = array<i32>} : memref<160xi32, #tpu.memory_space<vmem>>, vector<16xi32>,
      %swap3A_139 = arith.constant 32 : index
      %swap3A_140 = tpu.vector_load %arg9[%swap3A_139] {strides = array<i32>} : memref<80xi32, #tpu.memory_space<vmem>>, vector<16xi32>,
      tpu.vector_store %arg9[%swap3A_139], %get3A_138 {strides = array<i32>} : memref<80xi32, #tpu.memory_space<vmem>>, vector<16xi32>,
      %get3A_141 = arith.constant 128 : index
      %get3A_142 = tpu.vector_load %arg7[%get3A_141] {strides = array<i32>} : memref<160xi32, #tpu.memory_space<vmem>>, vector<16xi32>,
      %swap3A_143 = arith.constant 48 : index
      %swap3A_144 = tpu.vector_load %arg9[%swap3A_143] {strides = array<i32>} : memref<80xi32, #tpu.memory_space<vmem>>, vector<16xi32>,
      tpu.vector_store %arg9[%swap3A_143], %get3A_142 {strides = array<i32>} : memref<80xi32, #tpu.memory_space<vmem>>, vector<16xi32>,
      %get3A_145 = arith.constant 144 : index
      %get3A_146 = tpu.vector_load %arg7[%get3A_145] {strides = array<i32>} : memref<160xi32, #tpu.memory_space<vmem>>, vector<16xi32>,
      %swap3A_147 = arith.constant 64 : index
      %swap3A_148 = tpu.vector_load %arg9[%swap3A_147] {strides = array<i32>} : memref<80xi32, #tpu.memory_space<vmem>>, vector<16xi32>,
      tpu.vector_store %arg9[%swap3A_147], %get3A_146 {strides = array<i32>} : memref<80xi32, #tpu.memory_space<vmem>>, vector<16xi32>,
      %dma_start3A_149 = arith.constant 0 : i32
      %dma_start3A_150 = tpu.memref_slice %arg7[%dma_start3A_149] : memref<160xi32, #tpu.memory_space<vmem>> -> memref<80xi32, #tpu.memory_space<vmem>>
      %dma_start3A_151 = arith.constant 0 : i32
      %dma_start3A_152 = arith.constant 0 : i32
      %dma_start3A_153 = tpu.memref_slice %arg2[%dma_start3A_151, %dma_start3A_152] : memref<10240x128xf32, #tpu.memory_space<hbm>> -> memref<10240x128xf32, #tpu.memory_space<hbm>>
      tpu.enqueue_indirect_dma source(%dma_start3A_153 : memref<10240x128xf32, #tpu.memory_space<hbm>>) target(%arg11 : memref<80x128xf32, #tpu.memory_space<vmem>>) offsets(%dma_start3A_150 : memref<80xi32, #tpu.memory_space<vmem>>) semaphore(%arg15 : memref<!tpu.dma_semaphore, #tpu.memory_space<semaphore_mem>>)
      %dma_wait3A_154 = arith.constant 0 : i32
      %dma_wait3A_155 = tpu.memref_slice %arg7[%dma_wait3A_154] : memref<160xi32, #tpu.memory_space<vmem>> -> memref<80xi32, #tpu.memory_space<vmem>>
      %dma_wait3A_156 = arith.constant 0 : i32
      %dma_wait3A_157 = arith.constant 0 : i32
      %dma_wait3A_158 = tpu.memref_slice %arg2[%dma_wait3A_156, %dma_wait3A_157] : memref<10240x128xf32, #tpu.memory_space<hbm>> -> memref<10240x128xf32, #tpu.memory_space<hbm>>
      tpu.wait_indirect_dma semaphore(%arg15 : memref<!tpu.dma_semaphore, #tpu.memory_space<semaphore_mem>>) src(%dma_wait3A_158 : memref<10240x128xf32, #tpu.memory_space<hbm>>) dst(%arg11 : memref<80x128xf32, #tpu.memory_space<vmem>>)
      %dma_wait3A_159 = arith.constant 0 : i32
      %dma_wait3A_160 = arith.constant 0 : i32
      %dma_wait3A_161 = tpu.memref_slice %arg14[%dma_wait3A_159, %dma_wait3A_160] : memref<10240x128xf32, #tpu.memory_space<vmem_shared>> -> memref<80x128xf32, #tpu.memory_space<vmem_shared>>
      %dma_wait3A_162 = arith.constant 0 : i32
      %dma_wait3A_163 = arith.constant 0 : i32
      %dma_wait3A_164 = tpu.memref_slice %arg14[%dma_wait3A_162, %dma_wait3A_163] : memref<10240x128xf32, #tpu.memory_space<vmem_shared>> -> memref<80x128xf32, #tpu.memory_space<vmem_shared>>
      tpu.wait_dma2 semaphore(%arg16 : memref<!tpu.dma_semaphore, #tpu.memory_space<semaphore_mem>>) src(%arg10 : memref<80x128xf32, #tpu.memory_space<vmem>>) dst(%dma_wait3A_164 : memref<80x128xf32, #tpu.memory_space<vmem_shared>>)
      %add3A_165 = arith.constant 1 : i32
      %add3A_166 = arith.addi %add3A_124, %add3A_165 : i32
      %min3A_167 = arith.constant 124 : i32
      %min3A_168 = arith.minsi %add3A_166, %min3A_167 : i32
      %mul3A_169 = arith.constant 2 : i32
      %mul3A_170 = arith.muli %min3A_168, %mul3A_169 : i32
      %mul3A_171 = arith.constant 80 : i32
      %mul3A_172 = arith.muli %mul3A_170, %mul3A_171 : i32
      %add3A_173 = arith.addi %mul3A_6, %mul3A_172 : i32
      %dma_start3A_174 = tpu.memref_slice %arg3[%add3A_173] : memref<640000xi32, #tpu.memory_space<hbm>> -> memref<160xi32, #tpu.memory_space<hbm>>
      %dma_start3A_175 = tpu.memref_slice %arg3[%add3A_173] : memref<640000xi32, #tpu.memory_space<hbm>> -> memref<160xi32, #tpu.memory_space<hbm>>
      tpu.enqueue_dma source(%dma_start3A_175 : memref<160xi32, #tpu.memory_space<hbm>>) target(%arg6 : memref<160xi32, #tpu.memory_space<vmem>>) target_semaphore(%arg17 : memref<!tpu.dma_semaphore, #tpu.memory_space<semaphore_mem>>)
      %dma_start3A_176 = arith.constant 0 : i32
      %dma_start3A_177 = arith.constant 0 : i32
      %dma_start3A_178 = tpu.memref_slice %arg14[%dma_start3A_176, %dma_start3A_177] : memref<10240x128xf32, #tpu.memory_space<vmem_shared>> -> memref<10240x128xf32, #tpu.memory_space<vmem_shared>>
      tpu.enqueue_indirect_dma source(%arg11 : memref<80x128xf32, #tpu.memory_space<vmem>>) target(%dma_start3A_178 : memref<10240x128xf32, #tpu.memory_space<vmem_shared>>) offsets(%arg9 : memref<80xi32, #tpu.memory_space<vmem>>) semaphore(%arg16 : memref<!tpu.dma_semaphore, #tpu.memory_space<semaphore_mem>>) {add = true}
      %get3A_179 = arith.constant 0 : index
      %get3A_180 = tpu.vector_load %arg9[%get3A_179] {strides = array<i32>} : memref<80xi32, #tpu.memory_space<vmem>>, vector<16xi32>,
      tpu.vector_store_idx %arg13[%get3A_180], %broadcast_in_dim3A_9 {add = true} : memref<10240xf32, #tpu.memory_space<vmem>>[vector<16xi32>], vector<16xf32>,
      %get3A_181 = arith.constant 16 : index
      %get3A_182 = tpu.vector_load %arg9[%get3A_181] {strides = array<i32>} : memref<80xi32, #tpu.memory_space<vmem>>, vector<16xi32>,
      tpu.vector_store_idx %arg13[%get3A_182], %broadcast_in_dim3A_9 {add = true} : memref<10240xf32, #tpu.memory_space<vmem>>[vector<16xi32>], vector<16xf32>,
      %get3A_183 = arith.constant 32 : index
      %get3A_184 = tpu.vector_load %arg9[%get3A_183] {strides = array<i32>} : memref<80xi32, #tpu.memory_space<vmem>>, vector<16xi32>,
      tpu.vector_store_idx %arg13[%get3A_184], %broadcast_in_dim3A_9 {add = true} : memref<10240xf32, #tpu.memory_space<vmem>>[vector<16xi32>], vector<16xf32>,
      %get3A_185 = arith.constant 48 : index
      %get3A_186 = tpu.vector_load %arg9[%get3A_185] {strides = array<i32>} : memref<80xi32, #tpu.memory_space<vmem>>, vector<16xi32>,
      tpu.vector_store_idx %arg13[%get3A_186], %broadcast_in_dim3A_9 {add = true} : memref<10240xf32, #tpu.memory_space<vmem>>[vector<16xi32>], vector<16xf32>,
      %get3A_187 = arith.constant 64 : index
      %get3A_188 = tpu.vector_load %arg9[%get3A_187] {strides = array<i32>} : memref<80xi32, #tpu.memory_space<vmem>>, vector<16xi32>,
      tpu.vector_store_idx %arg13[%get3A_188], %broadcast_in_dim3A_9 {add = true} : memref<10240xf32, #tpu.memory_space<vmem>>[vector<16xi32>], vector<16xf32>,
      %dma_wait3A_189 = arith.constant 0 : i32
      %dma_wait3A_190 = tpu.memref_slice %arg3[%dma_wait3A_189] : memref<640000xi32, #tpu.memory_space<hbm>> -> memref<160xi32, #tpu.memory_space<hbm>>
      %dma_wait3A_191 = arith.constant 0 : i32
      %dma_wait3A_192 = tpu.memref_slice %arg3[%dma_wait3A_191] : memref<640000xi32, #tpu.memory_space<hbm>> -> memref<160xi32, #tpu.memory_space<hbm>>
      tpu.wait_dma2 semaphore(%arg17 : memref<!tpu.dma_semaphore, #tpu.memory_space<semaphore_mem>>) src(%dma_wait3A_192 : memref<160xi32, #tpu.memory_space<hbm>>) dst(%arg6 : memref<160xi32, #tpu.memory_space<vmem>>)
      %get3A_193 = arith.constant 80 : index
      %get3A_194 = tpu.vector_load %arg6[%get3A_193] {strides = array<i32>} : memref<160xi32, #tpu.memory_space<vmem>>, vector<16xi32>,
      %swap3A_195 = arith.constant 0 : index
      %swap3A_196 = tpu.vector_load %arg8[%swap3A_195] {strides = array<i32>} : memref<80xi32, #tpu.memory_space<vmem>>, vector<16xi32>,
      tpu.vector_store %arg8[%swap3A_195], %get3A_194 {strides = array<i32>} : memref<80xi32, #tpu.memory_space<vmem>>, vector<16xi32>,
      %get3A_197 = arith.constant 96 : index
      %get3A_198 = tpu.vector_load %arg6[%get3A_197] {strides = array<i32>} : memref<160xi32, #tpu.memory_space<vmem>>, vector<16xi32>,
      %swap3A_199 = arith.constant 16 : index
      %swap3A_200 = tpu.vector_load %arg8[%swap3A_199] {strides = array<i32>} : memref<80xi32, #tpu.memory_space<vmem>>, vector<16xi32>,
      tpu.vector_store %arg8[%swap3A_199], %get3A_198 {strides = array<i32>} : memref<80xi32, #tpu.memory_space<vmem>>, vector<16xi32>,
      %get3A_201 = arith.constant 112 : index
      %get3A_202 = tpu.vector_load %arg6[%get3A_201] {strides = array<i32>} : memref<160xi32, #tpu.memory_space<vmem>>, vector<16xi32>,
      %swap3A_203 = arith.constant 32 : index
      %swap3A_204 = tpu.vector_load %arg8[%swap3A_203] {strides = array<i32>} : memref<80xi32, #tpu.memory_space<vmem>>, vector<16xi32>,
      tpu.vector_store %arg8[%swap3A_203], %get3A_202 {strides = array<i32>} : memref<80xi32, #tpu.memory_space<vmem>>, vector<16xi32>,
      %get3A_205 = arith.constant 128 : index
      %get3A_206 = tpu.vector_load %arg6[%get3A_205] {strides = array<i32>} : memref<160xi32, #tpu.memory_space<vmem>>, vector<16xi32>,
      %swap3A_207 = arith.constant 48 : index
      %swap3A_208 = tpu.vector_load %arg8[%swap3A_207] {strides = array<i32>} : memref<80xi32, #tpu.memory_space<vmem>>, vector<16xi32>,
      tpu.vector_store %arg8[%swap3A_207], %get3A_206 {strides = array<i32>} : memref<80xi32, #tpu.memory_space<vmem>>, vector<16xi32>,
      %get3A_209 = arith.constant 144 : index
      %get3A_210 = tpu.vector_load %arg6[%get3A_209] {strides = array<i32>} : memref<160xi32, #tpu.memory_space<vmem>>, vector<16xi32>,
      %swap3A_211 = arith.constant 64 : index
      %swap3A_212 = tpu.vector_load %arg8[%swap3A_211] {strides = array<i32>} : memref<80xi32, #tpu.memory_space<vmem>>, vector<16xi32>,
      tpu.vector_store %arg8[%swap3A_211], %get3A_210 {strides = array<i32>} : memref<80xi32, #tpu.memory_space<vmem>>, vector<16xi32>,
      %dma_start3A_213 = arith.constant 0 : i32
      %dma_start3A_214 = tpu.memref_slice %arg6[%dma_start3A_213] : memref<160xi32, #tpu.memory_space<vmem>> -> memref<80xi32, #tpu.memory_space<vmem>>
      %dma_start3A_215 = arith.constant 0 : i32
      %dma_start3A_216 = arith.constant 0 : i32
      %dma_start3A_217 = tpu.memref_slice %arg2[%dma_start3A_215, %dma_start3A_216] : memref<10240x128xf32, #tpu.memory_space<hbm>> -> memref<10240x128xf32, #tpu.memory_space<hbm>>
      tpu.enqueue_indirect_dma source(%dma_start3A_217 : memref<10240x128xf32, #tpu.memory_space<hbm>>) target(%arg10 : memref<80x128xf32, #tpu.memory_space<vmem>>) offsets(%dma_start3A_214 : memref<80xi32, #tpu.memory_space<vmem>>) semaphore(%arg15 : memref<!tpu.dma_semaphore, #tpu.memory_space<semaphore_mem>>)
      %dma_wait3A_218 = arith.constant 0 : i32
      %dma_wait3A_219 = tpu.memref_slice %arg6[%dma_wait3A_218] : memref<160xi32, #tpu.memory_space<vmem>> -> memref<80xi32, #tpu.memory_space<vmem>>
      %dma_wait3A_220 = arith.constant 0 : i32
      %dma_wait3A_221 = arith.constant 0 : i32
      %dma_wait3A_222 = tpu.memref_slice %arg2[%dma_wait3A_220, %dma_wait3A_221] : memref<10240x128xf32, #tpu.memory_space<hbm>> -> memref<10240x128xf32, #tpu.memory_space<hbm>>
      tpu.wait_indirect_dma semaphore(%arg15 : memref<!tpu.dma_semaphore, #tpu.memory_space<semaphore_mem>>) src(%dma_wait3A_222 : memref<10240x128xf32, #tpu.memory_space<hbm>>) dst(%arg10 : memref<80x128xf32, #tpu.memory_space<vmem>>)
      %dma_wait3A_223 = arith.constant 0 : i32
      %dma_wait3A_224 = arith.constant 0 : i32
      %dma_wait3A_225 = tpu.memref_slice %arg14[%dma_wait3A_223, %dma_wait3A_224] : memref<10240x128xf32, #tpu.memory_space<vmem_shared>> -> memref<80x128xf32, #tpu.memory_space<vmem_shared>>
      %dma_wait3A_226 = arith.constant 0 : i32
      %dma_wait3A_227 = arith.constant 0 : i32
      %dma_wait3A_228 = tpu.memref_slice %arg14[%dma_wait3A_226, %dma_wait3A_227] : memref<10240x128xf32, #tpu.memory_space<vmem_shared>> -> memref<80x128xf32, #tpu.memory_space<vmem_shared>>
      tpu.wait_dma2 semaphore(%arg16 : memref<!tpu.dma_semaphore, #tpu.memory_space<semaphore_mem>>) src(%arg11 : memref<80x128xf32, #tpu.memory_space<vmem>>) dst(%dma_wait3A_228 : memref<80x128xf32, #tpu.memory_space<vmem_shared>>)
      %add3A_229 = arith.constant 2 : i32
      %add3A_230 = arith.addi %add3A_124, %add3A_229 : i32
      %min3A_231 = arith.constant 124 : i32
      %min3A_232 = arith.minsi %add3A_230, %min3A_231 : i32
      %mul3A_233 = arith.constant 2 : i32
      %mul3A_234 = arith.muli %min3A_232, %mul3A_233 : i32
      %mul3A_235 = arith.constant 80 : i32
      %mul3A_236 = arith.muli %mul3A_234, %mul3A_235 : i32
      %add3A_237 = arith.addi %mul3A_6, %mul3A_236 : i32
      %dma_start3A_238 = tpu.memref_slice %arg3[%add3A_237] : memref<640000xi32, #tpu.memory_space<hbm>> -> memref<160xi32, #tpu.memory_space<hbm>>
      %dma_start3A_239 = tpu.memref_slice %arg3[%add3A_237] : memref<640000xi32, #tpu.memory_space<hbm>> -> memref<160xi32, #tpu.memory_space<hbm>>
      tpu.enqueue_dma source(%dma_start3A_239 : memref<160xi32, #tpu.memory_space<hbm>>) target(%arg7 : memref<160xi32, #tpu.memory_space<vmem>>) target_semaphore(%arg18 : memref<!tpu.dma_semaphore, #tpu.memory_space<semaphore_mem>>)
      %dma_start3A_240 = arith.constant 0 : i32
      %dma_start3A_241 = arith.constant 0 : i32
      %dma_start3A_242 = tpu.memref_slice %arg14[%dma_start3A_240, %dma_start3A_241] : memref<10240x128xf32, #tpu.memory_space<vmem_shared>> -> memref<10240x128xf32, #tpu.memory_space<vmem_shared>>
      tpu.enqueue_indirect_dma source(%arg10 : memref<80x128xf32, #tpu.memory_space<vmem>>) target(%dma_start3A_242 : memref<10240x128xf32, #tpu.memory_space<vmem_shared>>) offsets(%arg8 : memref<80xi32, #tpu.memory_space<vmem>>) semaphore(%arg16 : memref<!tpu.dma_semaphore, #tpu.memory_space<semaphore_mem>>) {add = true}
      %get3A_243 = arith.constant 0 : index
      %get3A_244 = tpu.vector_load %arg8[%get3A_243] {strides = array<i32>} : memref<80xi32, #tpu.memory_space<vmem>>, vector<16xi32>,
      tpu.vector_store_idx %arg13[%get3A_244], %broadcast_in_dim3A_9 {add = true} : memref<10240xf32, #tpu.memory_space<vmem>>[vector<16xi32>], vector<16xf32>,
      %get3A_245 = arith.constant 16 : index
      %get3A_246 = tpu.vector_load %arg8[%get3A_245] {strides = array<i32>} : memref<80xi32, #tpu.memory_space<vmem>>, vector<16xi32>,
      tpu.vector_store_idx %arg13[%get3A_246], %broadcast_in_dim3A_9 {add = true} : memref<10240xf32, #tpu.memory_space<vmem>>[vector<16xi32>], vector<16xf32>,
      %get3A_247 = arith.constant 32 : index
      %get3A_248 = tpu.vector_load %arg8[%get3A_247] {strides = array<i32>} : memref<80xi32, #tpu.memory_space<vmem>>, vector<16xi32>,
      tpu.vector_store_idx %arg13[%get3A_248], %broadcast_in_dim3A_9 {add = true} : memref<10240xf32, #tpu.memory_space<vmem>>[vector<16xi32>], vector<16xf32>,
      %get3A_249 = arith.constant 48 : index
      %get3A_250 = tpu.vector_load %arg8[%get3A_249] {strides = array<i32>} : memref<80xi32, #tpu.memory_space<vmem>>, vector<16xi32>,
      tpu.vector_store_idx %arg13[%get3A_250], %broadcast_in_dim3A_9 {add = true} : memref<10240xf32, #tpu.memory_space<vmem>>[vector<16xi32>], vector<16xf32>,
      %get3A_251 = arith.constant 64 : index
      %get3A_252 = tpu.vector_load %arg8[%get3A_251] {strides = array<i32>} : memref<80xi32, #tpu.memory_space<vmem>>, vector<16xi32>,
      tpu.vector_store_idx %arg13[%get3A_252], %broadcast_in_dim3A_9 {add = true} : memref<10240xf32, #tpu.memory_space<vmem>>[vector<16xi32>], vector<16xf32>,
    }
    %scan3A_88 = arith.constant 62 : i32
    %dma_wait3A_89 = arith.constant 0 : i32
    %dma_wait3A_90 = arith.constant 0 : i32
    %dma_wait3A_91 = tpu.memref_slice %arg14[%dma_wait3A_89, %dma_wait3A_90] : memref<10240x128xf32, #tpu.memory_space<vmem_shared>> -> memref<80x128xf32, #tpu.memory_space<vmem_shared>>
    %dma_wait3A_92 = arith.constant 0 : i32
    %dma_wait3A_93 = arith.constant 0 : i32
    %dma_wait3A_94 = tpu.memref_slice %arg14[%dma_wait3A_92, %dma_wait3A_93] : memref<10240x128xf32, #tpu.memory_space<vmem_shared>> -> memref<80x128xf32, #tpu.memory_space<vmem_shared>>
    tpu.wait_dma2 semaphore(%arg16 : memref<!tpu.dma_semaphore, #tpu.memory_space<semaphore_mem>>) src(%arg10 : memref<80x128xf32, #tpu.memory_space<vmem>>) dst(%dma_wait3A_94 : memref<80x128xf32, #tpu.memory_space<vmem_shared>>)
    %dma_wait3A_95 = arith.constant 0 : i32
    %dma_wait3A_96 = tpu.memref_slice %arg3[%dma_wait3A_95] : memref<640000xi32, #tpu.memory_space<hbm>> -> memref<160xi32, #tpu.memory_space<hbm>>
    %dma_wait3A_97 = arith.constant 0 : i32
    %dma_wait3A_98 = tpu.memref_slice %arg3[%dma_wait3A_97] : memref<640000xi32, #tpu.memory_space<hbm>> -> memref<160xi32, #tpu.memory_space<hbm>>
    tpu.wait_dma2 semaphore(%arg18 : memref<!tpu.dma_semaphore, #tpu.memory_space<semaphore_mem>>) src(%dma_wait3A_98 : memref<160xi32, #tpu.memory_space<hbm>>) dst(%arg7 : memref<160xi32, #tpu.memory_space<vmem>>)
    %barrier3A_99 = arith.constant 0 : index
    tpu.barrier barrier_id(%barrier3A_99)
    %add3A_100 = arith.constant 0 : i32
    %add3A_101 = arith.addi %mul3A_16, %add3A_100 : i32
    "tpu.region"() ({
      %run_scoped3A = tpu.sem_alloc : memref<!tpu.dma_semaphore, #tpu.memory_space<semaphore_mem>>
      %dma_start3A_120 = arith.constant 0 : i32
      %dma_start3A_121 = tpu.memref_slice %arg14[%add3A_101, %dma_start3A_120] : memref<10240x128xf32, #tpu.memory_space<vmem_shared>> -> memref<128x128xf32, #tpu.memory_space<vmem_shared>>
      %dma_start3A_122 = arith.constant 0 : i32
      %dma_start3A_123 = tpu.memref_slice %arg14[%add3A_101, %dma_start3A_122] : memref<10240x128xf32, #tpu.memory_space<vmem_shared>> -> memref<128x128xf32, #tpu.memory_space<vmem_shared>>
      tpu.enqueue_dma source(%dma_start3A_123 : memref<128x128xf32, #tpu.memory_space<vmem_shared>>) target(%arg12 : memref<128x128xf32, #tpu.memory_space<vmem>>) target_semaphore(%run_scoped3A : memref<!tpu.dma_semaphore, #tpu.memory_space<semaphore_mem>>)
      %dma_wait3A_124 = arith.constant 0 : i32
      %dma_wait3A_125 = tpu.memref_slice %arg14[%add3A_101, %dma_wait3A_124] : memref<10240x128xf32, #tpu.memory_space<vmem_shared>> -> memref<128x128xf32, #tpu.memory_space<vmem_shared>>
      %dma_wait3A_126 = arith.constant 0 : i32
      %dma_wait3A_127 = tpu.memref_slice %arg14[%add3A_101, %dma_wait3A_126] : memref<10240x128xf32, #tpu.memory_space<vmem_shared>> -> memref<128x128xf32, #tpu.memory_space<vmem_shared>>
      tpu.wait_dma2 semaphore(%run_scoped3A : memref<!tpu.dma_semaphore, #tpu.memory_space<semaphore_mem>>) src(%dma_wait3A_127 : memref<128x128xf32, #tpu.memory_space<vmem_shared>>) dst(%arg12 : memref<128x128xf32, #tpu.memory_space<vmem>>)
      tpu.yield
    }) : () -> ()
    %add3A_102 = arith.constant 0 : i32
    %add3A_103 = arith.addi %mul3A_16, %add3A_102 : i32
    "tpu.region"() ({
      %run_scoped3A = tpu.sem_alloc : memref<!tpu.dma_semaphore, #tpu.memory_space<semaphore_mem>>
      %dma_start3A_120 = arith.constant 0 : i32
      %dma_start3A_121 = tpu.memref_slice %arg4[%arg0, %add3A_103, %dma_start3A_120] : memref<2x10240x128xf32, #tpu.memory_space<hbm>> -> memref<1x128x128xf32, #tpu.memory_space<hbm>>
      %dma_start3A_122 = tpu.memref_squeeze %dma_start3A_121 : memref<1x128x128xf32, #tpu.memory_space<hbm>> -> memref<128x128xf32, #tpu.memory_space<hbm>>
      %dma_start3A_123 = arith.constant 0 : i32
      %dma_start3A_124 = tpu.memref_slice %arg4[%arg0, %add3A_103, %dma_start3A_123] : memref<2x10240x128xf32, #tpu.memory_space<hbm>> -> memref<1x128x128xf32, #tpu.memory_space<hbm>>
      %dma_start3A_125 = tpu.memref_squeeze %dma_start3A_124 : memref<1x128x128xf32, #tpu.memory_space<hbm>> -> memref<128x128xf32, #tpu.memory_space<hbm>>
      tpu.enqueue_dma source(%arg12 : memref<128x128xf32, #tpu.memory_space<vmem>>) target(%dma_start3A_125 : memref<128x128xf32, #tpu.memory_space<hbm>>) target_semaphore(%run_scoped3A : memref<!tpu.dma_semaphore, #tpu.memory_space<semaphore_mem>>)
      %dma_wait3A_126 = arith.constant 0 : i32
      %dma_wait3A_127 = tpu.memref_slice %arg4[%arg0, %add3A_103, %dma_wait3A_126] : memref<2x10240x128xf32, #tpu.memory_space<hbm>> -> memref<1x128x128xf32, #tpu.memory_space<hbm>>
      %dma_wait3A_128 = tpu.memref_squeeze %dma_wait3A_127 : memref<1x128x128xf32, #tpu.memory_space<hbm>> -> memref<128x128xf32, #tpu.memory_space<hbm>>
      %dma_wait3A_129 = arith.constant 0 : i32
      %dma_wait3A_130 = tpu.memref_slice %arg4[%arg0, %add3A_103, %dma_wait3A_129] : memref<2x10240x128xf32, #tpu.memory_space<hbm>> -> memref<1x128x128xf32, #tpu.memory_space<hbm>>
      %dma_wait3A_131 = tpu.memref_squeeze %dma_wait3A_130 : memref<1x128x128xf32, #tpu.memory_space<hbm>> -> memref<128x128xf32, #tpu.memory_space<hbm>>
      tpu.wait_dma2 semaphore(%run_scoped3A : memref<!tpu.dma_semaphore, #tpu.memory_space<semaphore_mem>>) src(%arg12 : memref<128x128xf32, #tpu.memory_space<vmem>>) dst(%dma_wait3A_131 : memref<128x128xf32, #tpu.memory_space<hbm>>)
      tpu.yield
    }) : () -> ()
    %add3A_104 = arith.constant 128 : i32
    %add3A_105 = arith.addi %mul3A_16, %add3A_104 : i32
    "tpu.region"() ({
      %run_scoped3A = tpu.sem_alloc : memref<!tpu.dma_semaphore, #tpu.memory_space<semaphore_mem>>
      %dma_start3A_120 = arith.constant 0 : i32
      %dma_start3A_121 = tpu.memref_slice %arg14[%add3A_105, %dma_start3A_120] : memref<10240x128xf32, #tpu.memory_space<vmem_shared>> -> memref<128x128xf32, #tpu.memory_space<vmem_shared>>
      %dma_start3A_122 = arith.constant 0 : i32
      %dma_start3A_123 = tpu.memref_slice %arg14[%add3A_105, %dma_start3A_122] : memref<10240x128xf32, #tpu.memory_space<vmem_shared>> -> memref<128x128xf32, #tpu.memory_space<vmem_shared>>
      tpu.enqueue_dma source(%dma_start3A_123 : memref<128x128xf32, #tpu.memory_space<vmem_shared>>) target(%arg12 : memref<128x128xf32, #tpu.memory_space<vmem>>) target_semaphore(%run_scoped3A : memref<!tpu.dma_semaphore, #tpu.memory_space<semaphore_mem>>)
      %dma_wait3A_124 = arith.constant 0 : i32
      %dma_wait3A_125 = tpu.memref_slice %arg14[%add3A_105, %dma_wait3A_124] : memref<10240x128xf32, #tpu.memory_space<vmem_shared>> -> memref<128x128xf32, #tpu.memory_space<vmem_shared>>
      %dma_wait3A_126 = arith.constant 0 : i32
      %dma_wait3A_127 = tpu.memref_slice %arg14[%add3A_105, %dma_wait3A_126] : memref<10240x128xf32, #tpu.memory_space<vmem_shared>> -> memref<128x128xf32, #tpu.memory_space<vmem_shared>>
      tpu.wait_dma2 semaphore(%run_scoped3A : memref<!tpu.dma_semaphore, #tpu.memory_space<semaphore_mem>>) src(%dma_wait3A_127 : memref<128x128xf32, #tpu.memory_space<vmem_shared>>) dst(%arg12 : memref<128x128xf32, #tpu.memory_space<vmem>>)
      tpu.yield
    }) : () -> ()
    %add3A_106 = arith.constant 128 : i32
    %add3A_107 = arith.addi %mul3A_16, %add3A_106 : i32
    "tpu.region"() ({
      %run_scoped3A = tpu.sem_alloc : memref<!tpu.dma_semaphore, #tpu.memory_space<semaphore_mem>>
      %dma_start3A_120 = arith.constant 0 : i32
      %dma_start3A_121 = tpu.memref_slice %arg4[%arg0, %add3A_107, %dma_start3A_120] : memref<2x10240x128xf32, #tpu.memory_space<hbm>> -> memref<1x128x128xf32, #tpu.memory_space<hbm>>
      %dma_start3A_122 = tpu.memref_squeeze %dma_start3A_121 : memref<1x128x128xf32, #tpu.memory_space<hbm>> -> memref<128x128xf32, #tpu.memory_space<hbm>>
      %dma_start3A_123 = arith.constant 0 : i32
      %dma_start3A_124 = tpu.memref_slice %arg4[%arg0, %add3A_107, %dma_start3A_123] : memref<2x10240x128xf32, #tpu.memory_space<hbm>> -> memref<1x128x128xf32, #tpu.memory_space<hbm>>
      %dma_start3A_125 = tpu.memref_squeeze %dma_start3A_124 : memref<1x128x128xf32, #tpu.memory_space<hbm>> -> memref<128x128xf32, #tpu.memory_space<hbm>>
      tpu.enqueue_dma source(%arg12 : memref<128x128xf32, #tpu.memory_space<vmem>>) target(%dma_start3A_125 : memref<128x128xf32, #tpu.memory_space<hbm>>) target_semaphore(%run_scoped3A : memref<!tpu.dma_semaphore, #tpu.memory_space<semaphore_mem>>)
      %dma_wait3A_126 = arith.constant 0 : i32
      %dma_wait3A_127 = tpu.memref_slice %arg4[%arg0, %add3A_107, %dma_wait3A_126] : memref<2x10240x128xf32, #tpu.memory_space<hbm>> -> memref<1x128x128xf32, #tpu.memory_space<hbm>>
      %dma_wait3A_128 = tpu.memref_squeeze %dma_wait3A_127 : memref<1x128x128xf32, #tpu.memory_space<hbm>> -> memref<128x128xf32, #tpu.memory_space<hbm>>
      %dma_wait3A_129 = arith.constant 0 : i32
      %dma_wait3A_130 = tpu.memref_slice %arg4[%arg0, %add3A_107, %dma_wait3A_129] : memref<2x10240x128xf32, #tpu.memory_space<hbm>> -> memref<1x128x128xf32, #tpu.memory_space<hbm>>
      %dma_wait3A_131 = tpu.memref_squeeze %dma_wait3A_130 : memref<1x128x128xf32, #tpu.memory_space<hbm>> -> memref<128x128xf32, #tpu.memory_space<hbm>>
      tpu.wait_dma2 semaphore(%run_scoped3A : memref<!tpu.dma_semaphore, #tpu.memory_space<semaphore_mem>>) src(%arg12 : memref<128x128xf32, #tpu.memory_space<vmem>>) dst(%dma_wait3A_131 : memref<128x128xf32, #tpu.memory_space<hbm>>)
      tpu.yield
    }) : () -> ()
    %add3A_108 = arith.constant 256 : i32
    %add3A_109 = arith.addi %mul3A_16, %add3A_108 : i32
    "tpu.region"() ({
      %run_scoped3A = tpu.sem_alloc : memref<!tpu.dma_semaphore, #tpu.memory_space<semaphore_mem>>
      %dma_start3A_120 = arith.constant 0 : i32
      %dma_start3A_121 = tpu.memref_slice %arg14[%add3A_109, %dma_start3A_120] : memref<10240x128xf32, #tpu.memory_space<vmem_shared>> -> memref<128x128xf32, #tpu.memory_space<vmem_shared>>
      %dma_start3A_122 = arith.constant 0 : i32
      %dma_start3A_123 = tpu.memref_slice %arg14[%add3A_109, %dma_start3A_122] : memref<10240x128xf32, #tpu.memory_space<vmem_shared>> -> memref<128x128xf32, #tpu.memory_space<vmem_shared>>
      tpu.enqueue_dma source(%dma_start3A_123 : memref<128x128xf32, #tpu.memory_space<vmem_shared>>) target(%arg12 : memref<128x128xf32, #tpu.memory_space<vmem>>) target_semaphore(%run_scoped3A : memref<!tpu.dma_semaphore, #tpu.memory_space<semaphore_mem>>)
      %dma_wait3A_124 = arith.constant 0 : i32
      %dma_wait3A_125 = tpu.memref_slice %arg14[%add3A_109, %dma_wait3A_124] : memref<10240x128xf32, #tpu.memory_space<vmem_shared>> -> memref<128x128xf32, #tpu.memory_space<vmem_shared>>
      %dma_wait3A_126 = arith.constant 0 : i32
      %dma_wait3A_127 = tpu.memref_slice %arg14[%add3A_109, %dma_wait3A_126] : memref<10240x128xf32, #tpu.memory_space<vmem_shared>> -> memref<128x128xf32, #tpu.memory_space<vmem_shared>>
      tpu.wait_dma2 semaphore(%run_scoped3A : memref<!tpu.dma_semaphore, #tpu.memory_space<semaphore_mem>>) src(%dma_wait3A_127 : memref<128x128xf32, #tpu.memory_space<vmem_shared>>) dst(%arg12 : memref<128x128xf32, #tpu.memory_space<vmem>>)
      tpu.yield
    }) : () -> ()
    %add3A_110 = arith.constant 256 : i32
    %add3A_111 = arith.addi %mul3A_16, %add3A_110 : i32
    "tpu.region"() ({
      %run_scoped3A = tpu.sem_alloc : memref<!tpu.dma_semaphore, #tpu.memory_space<semaphore_mem>>
      %dma_start3A_120 = arith.constant 0 : i32
      %dma_start3A_121 = tpu.memref_slice %arg4[%arg0, %add3A_111, %dma_start3A_120] : memref<2x10240x128xf32, #tpu.memory_space<hbm>> -> memref<1x128x128xf32, #tpu.memory_space<hbm>>
      %dma_start3A_122 = tpu.memref_squeeze %dma_start3A_121 : memref<1x128x128xf32, #tpu.memory_space<hbm>> -> memref<128x128xf32, #tpu.memory_space<hbm>>
      %dma_start3A_123 = arith.constant 0 : i32
      %dma_start3A_124 = tpu.memref_slice %arg4[%arg0, %add3A_111, %dma_start3A_123] : memref<2x10240x128xf32, #tpu.memory_space<hbm>> -> memref<1x128x128xf32, #tpu.memory_space<hbm>>
      %dma_start3A_125 = tpu.memref_squeeze %dma_start3A_124 : memref<1x128x128xf32, #tpu.memory_space<hbm>> -> memref<128x128xf32, #tpu.memory_space<hbm>>
      tpu.enqueue_dma source(%arg12 : memref<128x128xf32, #tpu.memory_space<vmem>>) target(%dma_start3A_125 : memref<128x128xf32, #tpu.memory_space<hbm>>) target_semaphore(%run_scoped3A : memref<!tpu.dma_semaphore, #tpu.memory_space<semaphore_mem>>)
      %dma_wait3A_126 = arith.constant 0 : i32
      %dma_wait3A_127 = tpu.memref_slice %arg4[%arg0, %add3A_111, %dma_wait3A_126] : memref<2x10240x128xf32, #tpu.memory_space<hbm>> -> memref<1x128x128xf32, #tpu.memory_space<hbm>>
      %dma_wait3A_128 = tpu.memref_squeeze %dma_wait3A_127 : memref<1x128x128xf32, #tpu.memory_space<hbm>> -> memref<128x128xf32, #tpu.memory_space<hbm>>
      %dma_wait3A_129 = arith.constant 0 : i32
      %dma_wait3A_130 = tpu.memref_slice %arg4[%arg0, %add3A_111, %dma_wait3A_129] : memref<2x10240x128xf32, #tpu.memory_space<hbm>> -> memref<1x128x128xf32, #tpu.memory_space<hbm>>
      %dma_wait3A_131 = tpu.memref_squeeze %dma_wait3A_130 : memref<1x128x128xf32, #tpu.memory_space<hbm>> -> memref<128x128xf32, #tpu.memory_space<hbm>>
      tpu.wait_dma2 semaphore(%run_scoped3A : memref<!tpu.dma_semaphore, #tpu.memory_space<semaphore_mem>>) src(%arg12 : memref<128x128xf32, #tpu.memory_space<vmem>>) dst(%dma_wait3A_131 : memref<128x128xf32, #tpu.memory_space<hbm>>)
      tpu.yield
    }) : () -> ()
    %add3A_112 = arith.constant 384 : i32
    %add3A_113 = arith.addi %mul3A_16, %add3A_112 : i32
    "tpu.region"() ({
      %run_scoped3A = tpu.sem_alloc : memref<!tpu.dma_semaphore, #tpu.memory_space<semaphore_mem>>
      %dma_start3A_120 = arith.constant 0 : i32
      %dma_start3A_121 = tpu.memref_slice %arg14[%add3A_113, %dma_start3A_120] : memref<10240x128xf32, #tpu.memory_space<vmem_shared>> -> memref<128x128xf32, #tpu.memory_space<vmem_shared>>
      %dma_start3A_122 = arith.constant 0 : i32
      %dma_start3A_123 = tpu.memref_slice %arg14[%add3A_113, %dma_start3A_122] : memref<10240x128xf32, #tpu.memory_space<vmem_shared>> -> memref<128x128xf32, #tpu.memory_space<vmem_shared>>
      tpu.enqueue_dma source(%dma_start3A_123 : memref<128x128xf32, #tpu.memory_space<vmem_shared>>) target(%arg12 : memref<128x128xf32, #tpu.memory_space<vmem>>) target_semaphore(%run_scoped3A : memref<!tpu.dma_semaphore, #tpu.memory_space<semaphore_mem>>)
      %dma_wait3A_124 = arith.constant 0 : i32
      %dma_wait3A_125 = tpu.memref_slice %arg14[%add3A_113, %dma_wait3A_124] : memref<10240x128xf32, #tpu.memory_space<vmem_shared>> -> memref<128x128xf32, #tpu.memory_space<vmem_shared>>
      %dma_wait3A_126 = arith.constant 0 : i32
      %dma_wait3A_127 = tpu.memref_slice %arg14[%add3A_113, %dma_wait3A_126] : memref<10240x128xf32, #tpu.memory_space<vmem_shared>> -> memref<128x128xf32, #tpu.memory_space<vmem_shared>>
      tpu.wait_dma2 semaphore(%run_scoped3A : memref<!tpu.dma_semaphore, #tpu.memory_space<semaphore_mem>>) src(%dma_wait3A_127 : memref<128x128xf32, #tpu.memory_space<vmem_shared>>) dst(%arg12 : memref<128x128xf32, #tpu.memory_space<vmem>>)
      tpu.yield
    }) : () -> ()
    %add3A_114 = arith.constant 384 : i32
    %add3A_115 = arith.addi %mul3A_16, %add3A_114 : i32
    "tpu.region"() ({
      %run_scoped3A = tpu.sem_alloc : memref<!tpu.dma_semaphore, #tpu.memory_space<semaphore_mem>>
      %dma_start3A_120 = arith.constant 0 : i32
      %dma_start3A_121 = tpu.memref_slice %arg4[%arg0, %add3A_115, %dma_start3A_120] : memref<2x10240x128xf32, #tpu.memory_space<hbm>> -> memref<1x128x128xf32, #tpu.memory_space<hbm>>
      %dma_start3A_122 = tpu.memref_squeeze %dma_start3A_121 : memref<1x128x128xf32, #tpu.memory_space<hbm>> -> memref<128x128xf32, #tpu.memory_space<hbm>>
      %dma_start3A_123 = arith.constant 0 : i32
      %dma_start3A_124 = tpu.memref_slice %arg4[%arg0, %add3A_115, %dma_start3A_123] : memref<2x10240x128xf32, #tpu.memory_space<hbm>> -> memref<1x128x128xf32, #tpu.memory_space<hbm>>
      %dma_start3A_125 = tpu.memref_squeeze %dma_start3A_124 : memref<1x128x128xf32, #tpu.memory_space<hbm>> -> memref<128x128xf32, #tpu.memory_space<hbm>>
      tpu.enqueue_dma source(%arg12 : memref<128x128xf32, #tpu.memory_space<vmem>>) target(%dma_start3A_125 : memref<128x128xf32, #tpu.memory_space<hbm>>) target_semaphore(%run_scoped3A : memref<!tpu.dma_semaphore, #tpu.memory_space<semaphore_mem>>)
      %dma_wait3A_126 = arith.constant 0 : i32
      %dma_wait3A_127 = tpu.memref_slice %arg4[%arg0, %add3A_115, %dma_wait3A_126] : memref<2x10240x128xf32, #tpu.memory_space<hbm>> -> memref<1x128x128xf32, #tpu.memory_space<hbm>>
      %dma_wait3A_128 = tpu.memref_squeeze %dma_wait3A_127 : memref<1x128x128xf32, #tpu.memory_space<hbm>> -> memref<128x128xf32, #tpu.memory_space<hbm>>
      %dma_wait3A_129 = arith.constant 0 : i32
      %dma_wait3A_130 = tpu.memref_slice %arg4[%arg0, %add3A_115, %dma_wait3A_129] : memref<2x10240x128xf32, #tpu.memory_space<hbm>> -> memref<1x128x128xf32, #tpu.memory_space<hbm>>
      %dma_wait3A_131 = tpu.memref_squeeze %dma_wait3A_130 : memref<1x128x128xf32, #tpu.memory_space<hbm>> -> memref<128x128xf32, #tpu.memory_space<hbm>>
      tpu.wait_dma2 semaphore(%run_scoped3A : memref<!tpu.dma_semaphore, #tpu.memory_space<semaphore_mem>>) src(%arg12 : memref<128x128xf32, #tpu.memory_space<vmem>>) dst(%dma_wait3A_131 : memref<128x128xf32, #tpu.memory_space<hbm>>)
      tpu.yield
    }) : () -> ()
    %add3A_116 = arith.constant 512 : i32
    %add3A_117 = arith.addi %mul3A_16, %add3A_116 : i32
    "tpu.region"() ({
      %run_scoped3A = tpu.sem_alloc : memref<!tpu.dma_semaphore, #tpu.memory_space<semaphore_mem>>
      %dma_start3A_120 = arith.constant 0 : i32
      %dma_start3A_121 = tpu.memref_slice %arg14[%add3A_117, %dma_start3A_120] : memref<10240x128xf32, #tpu.memory_space<vmem_shared>> -> memref<128x128xf32, #tpu.memory_space<vmem_shared>>
      %dma_start3A_122 = arith.constant 0 : i32
      %dma_start3A_123 = tpu.memref_slice %arg14[%add3A_117, %dma_start3A_122] : memref<10240x128xf32, #tpu.memory_space<vmem_shared>> -> memref<128x128xf32, #tpu.memory_space<vmem_shared>>
      tpu.enqueue_dma source(%dma_start3A_123 : memref<128x128xf32, #tpu.memory_space<vmem_shared>>) target(%arg12 : memref<128x128xf32, #tpu.memory_space<vmem>>) target_semaphore(%run_scoped3A : memref<!tpu.dma_semaphore, #tpu.memory_space<semaphore_mem>>)
      %dma_wait3A_124 = arith.constant 0 : i32
      %dma_wait3A_125 = tpu.memref_slice %arg14[%add3A_117, %dma_wait3A_124] : memref<10240x128xf32, #tpu.memory_space<vmem_shared>> -> memref<128x128xf32, #tpu.memory_space<vmem_shared>>
      %dma_wait3A_126 = arith.constant 0 : i32
      %dma_wait3A_127 = tpu.memref_slice %arg14[%add3A_117, %dma_wait3A_126] : memref<10240x128xf32, #tpu.memory_space<vmem_shared>> -> memref<128x128xf32, #tpu.memory_space<vmem_shared>>
      tpu.wait_dma2 semaphore(%run_scoped3A : memref<!tpu.dma_semaphore, #tpu.memory_space<semaphore_mem>>) src(%dma_wait3A_127 : memref<128x128xf32, #tpu.memory_space<vmem_shared>>) dst(%arg12 : memref<128x128xf32, #tpu.memory_space<vmem>>)
      tpu.yield
    }) : () -> ()
    %add3A_118 = arith.constant 512 : i32
    %add3A_119 = arith.addi %mul3A_16, %add3A_118 : i32
    "tpu.region"() ({
      %run_scoped3A = tpu.sem_alloc : memref<!tpu.dma_semaphore, #tpu.memory_space<semaphore_mem>>
      %dma_start3A_120 = arith.constant 0 : i32
      %dma_start3A_121 = tpu.memref_slice %arg4[%arg0, %add3A_119, %dma_start3A_120] : memref<2x10240x128xf32, #tpu.memory_space<hbm>> -> memref<1x128x128xf32, #tpu.memory_space<hbm>>
      %dma_start3A_122 = tpu.memref_squeeze %dma_start3A_121 : memref<1x128x128xf32, #tpu.memory_space<hbm>> -> memref<128x128xf32, #tpu.memory_space<hbm>>
      %dma_start3A_123 = arith.constant 0 : i32
      %dma_start3A_124 = tpu.memref_slice %arg4[%arg0, %add3A_119, %dma_start3A_123] : memref<2x10240x128xf32, #tpu.memory_space<hbm>> -> memref<1x128x128xf32, #tpu.memory_space<hbm>>
      %dma_start3A_125 = tpu.memref_squeeze %dma_start3A_124 : memref<1x128x128xf32, #tpu.memory_space<hbm>> -> memref<128x128xf32, #tpu.memory_space<hbm>>
      tpu.enqueue_dma source(%arg12 : memref<128x128xf32, #tpu.memory_space<vmem>>) target(%dma_start3A_125 : memref<128x128xf32, #tpu.memory_space<hbm>>) target_semaphore(%run_scoped3A : memref<!tpu.dma_semaphore, #tpu.memory_space<semaphore_mem>>)
      %dma_wait3A_126 = arith.constant 0 : i32
      %dma_wait3A_127 = tpu.memref_slice %arg4[%arg0, %add3A_119, %dma_wait3A_126] : memref<2x10240x128xf32, #tpu.memory_space<hbm>> -> memref<1x128x128xf32, #tpu.memory_space<hbm>>
      %dma_wait3A_128 = tpu.memref_squeeze %dma_wait3A_127 : memref<1x128x128xf32, #tpu.memory_space<hbm>> -> memref<128x128xf32, #tpu.memory_space<hbm>>
      %dma_wait3A_129 = arith.constant 0 : i32
      %dma_wait3A_130 = tpu.memref_slice %arg4[%arg0, %add3A_119, %dma_wait3A_129] : memref<2x10240x128xf32, #tpu.memory_space<hbm>> -> memref<1x128x128xf32, #tpu.memory_space<hbm>>
      %dma_wait3A_131 = tpu.memref_squeeze %dma_wait3A_130 : memref<1x128x128xf32, #tpu.memory_space<hbm>> -> memref<128x128xf32, #tpu.memory_space<hbm>>
      tpu.wait_dma2 semaphore(%run_scoped3A : memref<!tpu.dma_semaphore, #tpu.memory_space<semaphore_mem>>) src(%arg12 : memref<128x128xf32, #tpu.memory_space<vmem>>) dst(%dma_wait3A_131 : memref<128x128xf32, #tpu.memory_space<hbm>>)
      tpu.yield
    }) : () -> ()
    "tpu.region"() ({
      %run_scoped3A = tpu.sem_alloc : memref<!tpu.dma_semaphore, #tpu.memory_space<semaphore_mem>>
      %dma_start3A_120 = arith.constant 0 : i32
      %dma_start3A_121 = tpu.memref_slice %arg5[%arg0, %arg1, %dma_start3A_120] : memref<2x16x10240xf32, #tpu.memory_space<hbm>> -> memref<1x1x10240xf32, #tpu.memory_space<hbm>>
      %dma_start3A_122 = tpu.memref_squeeze %dma_start3A_121 : memref<1x1x10240xf32, #tpu.memory_space<hbm>> -> memref<10240xf32, #tpu.memory_space<hbm>>
      %dma_start3A_123 = arith.constant 0 : i32
      %dma_start3A_124 = tpu.memref_slice %arg5[%arg0, %arg1, %dma_start3A_123] : memref<2x16x10240xf32, #tpu.memory_space<hbm>> -> memref<1x1x10240xf32, #tpu.memory_space<hbm>>
      %dma_start3A_125 = tpu.memref_squeeze %dma_start3A_124 : memref<1x1x10240xf32, #tpu.memory_space<hbm>> -> memref<10240xf32, #tpu.memory_space<hbm>>
      tpu.enqueue_dma source(%arg13 : memref<10240xf32, #tpu.memory_space<vmem>>) target(%dma_start3A_125 : memref<10240xf32, #tpu.memory_space<hbm>>) target_semaphore(%run_scoped3A : memref<!tpu.dma_semaphore, #tpu.memory_space<semaphore_mem>>)
      %dma_wait3A_126 = arith.constant 0 : i32
      %dma_wait3A_127 = tpu.memref_slice %arg5[%arg0, %arg1, %dma_wait3A_126] : memref<2x16x10240xf32, #tpu.memory_space<hbm>> -> memref<1x1x10240xf32, #tpu.memory_space<hbm>>
      %dma_wait3A_128 = tpu.memref_squeeze %dma_wait3A_127 : memref<1x1x10240xf32, #tpu.memory_space<hbm>> -> memref<10240xf32, #tpu.memory_space<hbm>>
      %dma_wait3A_129 = arith.constant 0 : i32
      %dma_wait3A_130 = tpu.memref_slice %arg5[%arg0, %arg1, %dma_wait3A_129] : memref<2x16x10240xf32, #tpu.memory_space<hbm>> -> memref<1x1x10240xf32, #tpu.memory_space<hbm>>
      %dma_wait3A_131 = tpu.memref_squeeze %dma_wait3A_130 : memref<1x1x10240xf32, #tpu.memory_space<hbm>> -> memref<10240xf32, #tpu.memory_space<hbm>>
      tpu.wait_dma2 semaphore(%run_scoped3A : memref<!tpu.dma_semaphore, #tpu.memory_space<semaphore_mem>>) src(%arg13 : memref<10240xf32, #tpu.memory_space<vmem>>) dst(%dma_wait3A_131 : memref<10240xf32, #tpu.memory_space<hbm>>)
      tpu.yield
    }) : () -> ()
    return
  }
}

#map = affine_map<(d0, d1) -> (0, 0)>
#map1 = affine_map<(d0, d1) -> (0)>
#map2 = affine_map<(d0, d1) -> (0, 0, 0)>
module attributes {stable_mosaic.version = 14 : i64} {
  func.func @body(%arg0: i32, %arg1: i32, %arg2: memref<10240x128xf32, #tpu.memory_space<hbm>>, %arg3: memref<640000xi32, #tpu.memory_space<hbm>>, %arg4: memref<2x10240x128xf32, #tpu.memory_space<hbm>>, %arg5: memref<160xi32, #tpu.memory_space<vmem>>, %arg6: memref<160xi32, #tpu.memory_space<vmem>>, %arg7: memref<80xi32, #tpu.memory_space<vmem>>, %arg8: memref<80xi32, #tpu.memory_space<vmem>>, %arg9: memref<80x128xf32, #tpu.memory_space<vmem>>, %arg10: memref<80x128xf32, #tpu.memory_space<vmem>>, %arg11: memref<128x128xf32, #tpu.memory_space<vmem>>, %arg12: memref<10240x128xf32, #tpu.memory_space<vmem_shared>>, %arg13: memref<!tpu.dma_semaphore, #tpu.memory_space<semaphore_mem>>, %arg14: memref<!tpu.dma_semaphore, #tpu.memory_space<semaphore_mem>>, %arg15: memref<!tpu.dma_semaphore, #tpu.memory_space<semaphore_mem>>, %arg16: memref<!tpu.dma_semaphore, #tpu.memory_space<semaphore_mem>>) attributes {dimension_semantics = [#tpu.dimension_semantics<core_parallel>, #tpu.dimension_semantics<subcore_parallel>], iteration_bounds = array<i64: 2, 16>, scalar_prefetch = 0 : i64, scratch_operands = 12 : i64, tpu.core_type = #tpu.core_type<sc_vector_subcore>, window_params = [{transform_indices = #map}, {transform_indices = #map1}, {transform_indices = #map2}]} {
    %mul3A = arith.constant 2 : i32
    %mul3A_0 = arith.muli %arg1, %mul3A : i32
    %add3A = arith.addi %mul3A_0, %arg0 : i32
    %mul3A_1 = arith.constant 125 : i32
    %mul3A_2 = arith.muli %add3A, %mul3A_1 : i32
    %mul3A_3 = arith.constant 2 : i32
    %mul3A_4 = arith.muli %mul3A_2, %mul3A_3 : i32
    %mul3A_5 = arith.constant 80 : i32
    %mul3A_6 = arith.muli %mul3A_4, %mul3A_5 : i32
    %broadcast_in_dim3A = arith.constant 0.000000e+00 : f32
    %broadcast_in_dim3A_7 = vector.broadcast %broadcast_in_dim3A : f32 to vector<16xf32>
    %broadcast_in_dim3A_8 = arith.constant 1.000000e+00 : f32
    %broadcast_in_dim3A_9 = vector.broadcast %broadcast_in_dim3A_8 : f32 to vector<16xf32>
    %scan3A = arith.constant 0 : i32
    %scan3A_10 = arith.constant 0 : i32
    %scan3A_11 = arith.constant 1024 : i32
    %scan3A_12 = arith.addi %scan3A_10, %scan3A_11 : i32
    %scan3A_13 = arith.constant 1 : i32
    scf.for %scan3A_104 = %scan3A_10 to %scan3A_12 step %scan3A_13  : i32 {
      %jit3A = arith.constant 8 : i32
      %div3A = arith.divsi %scan3A_104, %jit3A : i32
      %sign3A = arith.constant 0 : i32
      %sign3A_105 = arith.cmpi sgt, %scan3A_104, %sign3A : i32
      %sign3A_106 = arith.extui %sign3A_105 : i1 to i32
      %sign3A_107 = arith.constant 0 : i32
      %sign3A_108 = arith.cmpi slt, %scan3A_104, %sign3A_107 : i32
      %sign3A_109 = arith.extui %sign3A_108 : i1 to i32
      %sign3A_110 = arith.subi %sign3A_106, %sign3A_109 : i32
      %sign3A_111 = arith.constant 0 : i32
      %sign3A_112 = arith.cmpi sgt, %jit3A, %sign3A_111 : i32
      %sign3A_113 = arith.extui %sign3A_112 : i1 to i32
      %sign3A_114 = arith.constant 0 : i32
      %sign3A_115 = arith.cmpi slt, %jit3A, %sign3A_114 : i32
      %sign3A_116 = arith.extui %sign3A_115 : i1 to i32
      %sign3A_117 = arith.subi %sign3A_113, %sign3A_116 : i32
      %ne3A = arith.cmpi ne, %sign3A_110, %sign3A_117 : i32
      %rem3A = arith.remsi %scan3A_104, %jit3A : i32
      %ne3A_118 = arith.constant 0 : i32
      %ne3A_119 = arith.cmpi ne, %rem3A, %ne3A_118 : i32
      %and3A = arith.andi %ne3A, %ne3A_119 : i1
      %sub3A = arith.constant 1 : i32
      %sub3A_120 = arith.subi %div3A, %sub3A : i32
      %select_n3A = arith.select %and3A, %sub3A_120, %div3A : i32
      %jit3A_121 = arith.constant 8 : i32
      %eq3A = arith.constant 0 : i32
      %eq3A_122 = arith.cmpi eq, %jit3A_121, %eq3A : i32
      %jit3A_123 = arith.constant 1 : i32
      %select_n3A_124 = arith.select %eq3A_122, %jit3A_123, %jit3A_121 : i32
      %rem3A_125 = arith.remsi %scan3A_104, %select_n3A_124 : i32
      %ne3A_126 = arith.constant 0 : i32
      %ne3A_127 = arith.cmpi ne, %rem3A_125, %ne3A_126 : i32
      %lt3A = arith.constant 0 : i32
      %lt3A_128 = arith.cmpi slt, %rem3A_125, %lt3A : i32
      %lt3A_129 = arith.constant 0 : i32
      %lt3A_130 = arith.cmpi slt, %select_n3A_124, %lt3A_129 : i32
      %ne3A_131 = arith.xori %lt3A_128, %lt3A_130 : i1
      %and3A_132 = arith.andi %ne3A_131, %ne3A_127 : i1
      %add3A_133 = arith.addi %rem3A_125, %select_n3A_124 : i32
      %select_n3A_134 = arith.select %and3A_132, %add3A_133, %rem3A_125 : i32
      %mul3A_135 = arith.constant 16 : i32
      %mul3A_136 = arith.muli %select_n3A_134, %mul3A_135 : i32
      %swap3A_137 = arith.index_cast %select_n3A : i32 to index
      %swap3A_138 = arith.index_cast %mul3A_136 : i32 to index
      %swap3A_139 = tpu.vector_load %arg11[%swap3A_137, %swap3A_138] {strides = array<i32>} : memref<128x128xf32, #tpu.memory_space<vmem>>, vector<16xf32>,
      tpu.vector_store %arg11[%swap3A_137, %swap3A_138], %broadcast_in_dim3A_7 {strides = array<i32>} : memref<128x128xf32, #tpu.memory_space<vmem>>, vector<16xf32>,
    }
    %scan3A_14 = arith.constant 1024 : i32
    %mul3A_15 = arith.constant 640 : i32
    %mul3A_16 = arith.muli %arg1, %mul3A_15 : i32
    %add3A_17 = arith.constant 0 : i32
    %add3A_18 = arith.addi %mul3A_16, %add3A_17 : i32
    "tpu.region"() ({
      %run_scoped3A = tpu.sem_alloc : memref<!tpu.dma_semaphore, #tpu.memory_space<semaphore_mem>>
      %dma_start3A_104 = arith.constant 0 : i32
      %dma_start3A_105 = tpu.memref_slice %arg12[%add3A_18, %dma_start3A_104] : memref<10240x128xf32, #tpu.memory_space<vmem_shared>> -> memref<128x128xf32, #tpu.memory_space<vmem_shared>>
      %dma_start3A_106 = arith.constant 0 : i32
      %dma_start3A_107 = tpu.memref_slice %arg12[%add3A_18, %dma_start3A_106] : memref<10240x128xf32, #tpu.memory_space<vmem_shared>> -> memref<128x128xf32, #tpu.memory_space<vmem_shared>>
      tpu.enqueue_dma source(%arg11 : memref<128x128xf32, #tpu.memory_space<vmem>>) target(%dma_start3A_107 : memref<128x128xf32, #tpu.memory_space<vmem_shared>>) target_semaphore(%run_scoped3A : memref<!tpu.dma_semaphore, #tpu.memory_space<semaphore_mem>>)
      %dma_wait3A_108 = arith.constant 0 : i32
      %dma_wait3A_109 = tpu.memref_slice %arg12[%add3A_18, %dma_wait3A_108] : memref<10240x128xf32, #tpu.memory_space<vmem_shared>> -> memref<128x128xf32, #tpu.memory_space<vmem_shared>>
      %dma_wait3A_110 = arith.constant 0 : i32
      %dma_wait3A_111 = tpu.memref_slice %arg12[%add3A_18, %dma_wait3A_110] : memref<10240x128xf32, #tpu.memory_space<vmem_shared>> -> memref<128x128xf32, #tpu.memory_space<vmem_shared>>
      tpu.wait_dma2 semaphore(%run_scoped3A : memref<!tpu.dma_semaphore, #tpu.memory_space<semaphore_mem>>) src(%arg11 : memref<128x128xf32, #tpu.memory_space<vmem>>) dst(%dma_wait3A_111 : memref<128x128xf32, #tpu.memory_space<vmem_shared>>)
      tpu.yield
    }) : () -> ()
    %add3A_19 = arith.constant 128 : i32
    %add3A_20 = arith.addi %mul3A_16, %add3A_19 : i32
    "tpu.region"() ({
      %run_scoped3A = tpu.sem_alloc : memref<!tpu.dma_semaphore, #tpu.memory_space<semaphore_mem>>
      %dma_start3A_104 = arith.constant 0 : i32
      %dma_start3A_105 = tpu.memref_slice %arg12[%add3A_20, %dma_start3A_104] : memref<10240x128xf32, #tpu.memory_space<vmem_shared>> -> memref<128x128xf32, #tpu.memory_space<vmem_shared>>
      %dma_start3A_106 = arith.constant 0 : i32
      %dma_start3A_107 = tpu.memref_slice %arg12[%add3A_20, %dma_start3A_106] : memref<10240x128xf32, #tpu.memory_space<vmem_shared>> -> memref<128x128xf32, #tpu.memory_space<vmem_shared>>
      tpu.enqueue_dma source(%arg11 : memref<128x128xf32, #tpu.memory_space<vmem>>) target(%dma_start3A_107 : memref<128x128xf32, #tpu.memory_space<vmem_shared>>) target_semaphore(%run_scoped3A : memref<!tpu.dma_semaphore, #tpu.memory_space<semaphore_mem>>)
      %dma_wait3A_108 = arith.constant 0 : i32
      %dma_wait3A_109 = tpu.memref_slice %arg12[%add3A_20, %dma_wait3A_108] : memref<10240x128xf32, #tpu.memory_space<vmem_shared>> -> memref<128x128xf32, #tpu.memory_space<vmem_shared>>
      %dma_wait3A_110 = arith.constant 0 : i32
      %dma_wait3A_111 = tpu.memref_slice %arg12[%add3A_20, %dma_wait3A_110] : memref<10240x128xf32, #tpu.memory_space<vmem_shared>> -> memref<128x128xf32, #tpu.memory_space<vmem_shared>>
      tpu.wait_dma2 semaphore(%run_scoped3A : memref<!tpu.dma_semaphore, #tpu.memory_space<semaphore_mem>>) src(%arg11 : memref<128x128xf32, #tpu.memory_space<vmem>>) dst(%dma_wait3A_111 : memref<128x128xf32, #tpu.memory_space<vmem_shared>>)
      tpu.yield
    }) : () -> ()
    %add3A_21 = arith.constant 256 : i32
    %add3A_22 = arith.addi %mul3A_16, %add3A_21 : i32
    "tpu.region"() ({
      %run_scoped3A = tpu.sem_alloc : memref<!tpu.dma_semaphore, #tpu.memory_space<semaphore_mem>>
      %dma_start3A_104 = arith.constant 0 : i32
      %dma_start3A_105 = tpu.memref_slice %arg12[%add3A_22, %dma_start3A_104] : memref<10240x128xf32, #tpu.memory_space<vmem_shared>> -> memref<128x128xf32, #tpu.memory_space<vmem_shared>>
      %dma_start3A_106 = arith.constant 0 : i32
      %dma_start3A_107 = tpu.memref_slice %arg12[%add3A_22, %dma_start3A_106] : memref<10240x128xf32, #tpu.memory_space<vmem_shared>> -> memref<128x128xf32, #tpu.memory_space<vmem_shared>>
      tpu.enqueue_dma source(%arg11 : memref<128x128xf32, #tpu.memory_space<vmem>>) target(%dma_start3A_107 : memref<128x128xf32, #tpu.memory_space<vmem_shared>>) target_semaphore(%run_scoped3A : memref<!tpu.dma_semaphore, #tpu.memory_space<semaphore_mem>>)
      %dma_wait3A_108 = arith.constant 0 : i32
      %dma_wait3A_109 = tpu.memref_slice %arg12[%add3A_22, %dma_wait3A_108] : memref<10240x128xf32, #tpu.memory_space<vmem_shared>> -> memref<128x128xf32, #tpu.memory_space<vmem_shared>>
      %dma_wait3A_110 = arith.constant 0 : i32
      %dma_wait3A_111 = tpu.memref_slice %arg12[%add3A_22, %dma_wait3A_110] : memref<10240x128xf32, #tpu.memory_space<vmem_shared>> -> memref<128x128xf32, #tpu.memory_space<vmem_shared>>
      tpu.wait_dma2 semaphore(%run_scoped3A : memref<!tpu.dma_semaphore, #tpu.memory_space<semaphore_mem>>) src(%arg11 : memref<128x128xf32, #tpu.memory_space<vmem>>) dst(%dma_wait3A_111 : memref<128x128xf32, #tpu.memory_space<vmem_shared>>)
      tpu.yield
    }) : () -> ()
    %add3A_23 = arith.constant 384 : i32
    %add3A_24 = arith.addi %mul3A_16, %add3A_23 : i32
    "tpu.region"() ({
      %run_scoped3A = tpu.sem_alloc : memref<!tpu.dma_semaphore, #tpu.memory_space<semaphore_mem>>
      %dma_start3A_104 = arith.constant 0 : i32
      %dma_start3A_105 = tpu.memref_slice %arg12[%add3A_24, %dma_start3A_104] : memref<10240x128xf32, #tpu.memory_space<vmem_shared>> -> memref<128x128xf32, #tpu.memory_space<vmem_shared>>
      %dma_start3A_106 = arith.constant 0 : i32
      %dma_start3A_107 = tpu.memref_slice %arg12[%add3A_24, %dma_start3A_106] : memref<10240x128xf32, #tpu.memory_space<vmem_shared>> -> memref<128x128xf32, #tpu.memory_space<vmem_shared>>
      tpu.enqueue_dma source(%arg11 : memref<128x128xf32, #tpu.memory_space<vmem>>) target(%dma_start3A_107 : memref<128x128xf32, #tpu.memory_space<vmem_shared>>) target_semaphore(%run_scoped3A : memref<!tpu.dma_semaphore, #tpu.memory_space<semaphore_mem>>)
      %dma_wait3A_108 = arith.constant 0 : i32
      %dma_wait3A_109 = tpu.memref_slice %arg12[%add3A_24, %dma_wait3A_108] : memref<10240x128xf32, #tpu.memory_space<vmem_shared>> -> memref<128x128xf32, #tpu.memory_space<vmem_shared>>
      %dma_wait3A_110 = arith.constant 0 : i32
      %dma_wait3A_111 = tpu.memref_slice %arg12[%add3A_24, %dma_wait3A_110] : memref<10240x128xf32, #tpu.memory_space<vmem_shared>> -> memref<128x128xf32, #tpu.memory_space<vmem_shared>>
      tpu.wait_dma2 semaphore(%run_scoped3A : memref<!tpu.dma_semaphore, #tpu.memory_space<semaphore_mem>>) src(%arg11 : memref<128x128xf32, #tpu.memory_space<vmem>>) dst(%dma_wait3A_111 : memref<128x128xf32, #tpu.memory_space<vmem_shared>>)
      tpu.yield
    }) : () -> ()
    %add3A_25 = arith.constant 512 : i32
    %add3A_26 = arith.addi %mul3A_16, %add3A_25 : i32
    "tpu.region"() ({
      %run_scoped3A = tpu.sem_alloc : memref<!tpu.dma_semaphore, #tpu.memory_space<semaphore_mem>>
      %dma_start3A_104 = arith.constant 0 : i32
      %dma_start3A_105 = tpu.memref_slice %arg12[%add3A_26, %dma_start3A_104] : memref<10240x128xf32, #tpu.memory_space<vmem_shared>> -> memref<128x128xf32, #tpu.memory_space<vmem_shared>>
      %dma_start3A_106 = arith.constant 0 : i32
      %dma_start3A_107 = tpu.memref_slice %arg12[%add3A_26, %dma_start3A_106] : memref<10240x128xf32, #tpu.memory_space<vmem_shared>> -> memref<128x128xf32, #tpu.memory_space<vmem_shared>>
      tpu.enqueue_dma source(%arg11 : memref<128x128xf32, #tpu.memory_space<vmem>>) target(%dma_start3A_107 : memref<128x128xf32, #tpu.memory_space<vmem_shared>>) target_semaphore(%run_scoped3A : memref<!tpu.dma_semaphore, #tpu.memory_space<semaphore_mem>>)
      %dma_wait3A_108 = arith.constant 0 : i32
      %dma_wait3A_109 = tpu.memref_slice %arg12[%add3A_26, %dma_wait3A_108] : memref<10240x128xf32, #tpu.memory_space<vmem_shared>> -> memref<128x128xf32, #tpu.memory_space<vmem_shared>>
      %dma_wait3A_110 = arith.constant 0 : i32
      %dma_wait3A_111 = tpu.memref_slice %arg12[%add3A_26, %dma_wait3A_110] : memref<10240x128xf32, #tpu.memory_space<vmem_shared>> -> memref<128x128xf32, #tpu.memory_space<vmem_shared>>
      tpu.wait_dma2 semaphore(%run_scoped3A : memref<!tpu.dma_semaphore, #tpu.memory_space<semaphore_mem>>) src(%arg11 : memref<128x128xf32, #tpu.memory_space<vmem>>) dst(%dma_wait3A_111 : memref<128x128xf32, #tpu.memory_space<vmem_shared>>)
      tpu.yield
    }) : () -> ()
    %barrier3A = arith.constant 0 : index
    tpu.barrier barrier_id(%barrier3A)
    %min3A = arith.constant 1 : i32
    %min3A_27 = arith.constant 124 : i32
    %min3A_28 = arith.minsi %min3A, %min3A_27 : i32
    %mul3A_29 = arith.constant 2 : i32
    %mul3A_30 = arith.muli %min3A_28, %mul3A_29 : i32
    %mul3A_31 = arith.constant 80 : i32
    %mul3A_32 = arith.muli %mul3A_30, %mul3A_31 : i32
    %add3A_33 = arith.addi %mul3A_6, %mul3A_32 : i32
    %dma_start3A = tpu.memref_slice %arg3[%add3A_33] : memref<640000xi32, #tpu.memory_space<hbm>> -> memref<160xi32, #tpu.memory_space<hbm>>
    %dma_start3A_34 = tpu.memref_slice %arg3[%add3A_33] : memref<640000xi32, #tpu.memory_space<hbm>> -> memref<160xi32, #tpu.memory_space<hbm>>
    tpu.enqueue_dma source(%dma_start3A_34 : memref<160xi32, #tpu.memory_space<hbm>>) target(%arg6 : memref<160xi32, #tpu.memory_space<vmem>>) target_semaphore(%arg16 : memref<!tpu.dma_semaphore, #tpu.memory_space<semaphore_mem>>)
    %add3A_35 = arith.constant 0 : i32
    %add3A_36 = arith.addi %mul3A_6, %add3A_35 : i32
    "tpu.region"() ({
      %run_scoped3A = tpu.sem_alloc : memref<!tpu.dma_semaphore, #tpu.memory_space<semaphore_mem>>
      %dma_start3A_104 = tpu.memref_slice %arg3[%add3A_36] : memref<640000xi32, #tpu.memory_space<hbm>> -> memref<160xi32, #tpu.memory_space<hbm>>
      %dma_start3A_105 = tpu.memref_slice %arg3[%add3A_36] : memref<640000xi32, #tpu.memory_space<hbm>> -> memref<160xi32, #tpu.memory_space<hbm>>
      tpu.enqueue_dma source(%dma_start3A_105 : memref<160xi32, #tpu.memory_space<hbm>>) target(%arg5 : memref<160xi32, #tpu.memory_space<vmem>>) target_semaphore(%run_scoped3A : memref<!tpu.dma_semaphore, #tpu.memory_space<semaphore_mem>>)
      %dma_wait3A_106 = tpu.memref_slice %arg3[%add3A_36] : memref<640000xi32, #tpu.memory_space<hbm>> -> memref<160xi32, #tpu.memory_space<hbm>>
      %dma_wait3A_107 = tpu.memref_slice %arg3[%add3A_36] : memref<640000xi32, #tpu.memory_space<hbm>> -> memref<160xi32, #tpu.memory_space<hbm>>
      tpu.wait_dma2 semaphore(%run_scoped3A : memref<!tpu.dma_semaphore, #tpu.memory_space<semaphore_mem>>) src(%dma_wait3A_107 : memref<160xi32, #tpu.memory_space<hbm>>) dst(%arg5 : memref<160xi32, #tpu.memory_space<vmem>>)
      tpu.yield
    }) : () -> ()
    %get3A = arith.constant 80 : index
    %get3A_37 = tpu.vector_load %arg5[%get3A] {strides = array<i32>} : memref<160xi32, #tpu.memory_space<vmem>>, vector<16xi32>,
    %swap3A = arith.constant 0 : index
    %swap3A_38 = tpu.vector_load %arg7[%swap3A] {strides = array<i32>} : memref<80xi32, #tpu.memory_space<vmem>>, vector<16xi32>,
    tpu.vector_store %arg7[%swap3A], %get3A_37 {strides = array<i32>} : memref<80xi32, #tpu.memory_space<vmem>>, vector<16xi32>,
    %get3A_39 = arith.constant 96 : index
    %get3A_40 = tpu.vector_load %arg5[%get3A_39] {strides = array<i32>} : memref<160xi32, #tpu.memory_space<vmem>>, vector<16xi32>,
    %swap3A_41 = arith.constant 16 : index
    %swap3A_42 = tpu.vector_load %arg7[%swap3A_41] {strides = array<i32>} : memref<80xi32, #tpu.memory_space<vmem>>, vector<16xi32>,
    tpu.vector_store %arg7[%swap3A_41], %get3A_40 {strides = array<i32>} : memref<80xi32, #tpu.memory_space<vmem>>, vector<16xi32>,
    %get3A_43 = arith.constant 112 : index
    %get3A_44 = tpu.vector_load %arg5[%get3A_43] {strides = array<i32>} : memref<160xi32, #tpu.memory_space<vmem>>, vector<16xi32>,
    %swap3A_45 = arith.constant 32 : index
    %swap3A_46 = tpu.vector_load %arg7[%swap3A_45] {strides = array<i32>} : memref<80xi32, #tpu.memory_space<vmem>>, vector<16xi32>,
    tpu.vector_store %arg7[%swap3A_45], %get3A_44 {strides = array<i32>} : memref<80xi32, #tpu.memory_space<vmem>>, vector<16xi32>,
    %get3A_47 = arith.constant 128 : index
    %get3A_48 = tpu.vector_load %arg5[%get3A_47] {strides = array<i32>} : memref<160xi32, #tpu.memory_space<vmem>>, vector<16xi32>,
    %swap3A_49 = arith.constant 48 : index
    %swap3A_50 = tpu.vector_load %arg7[%swap3A_49] {strides = array<i32>} : memref<80xi32, #tpu.memory_space<vmem>>, vector<16xi32>,
    tpu.vector_store %arg7[%swap3A_49], %get3A_48 {strides = array<i32>} : memref<80xi32, #tpu.memory_space<vmem>>, vector<16xi32>,
    %get3A_51 = arith.constant 144 : index
    %get3A_52 = tpu.vector_load %arg5[%get3A_51] {strides = array<i32>} : memref<160xi32, #tpu.memory_space<vmem>>, vector<16xi32>,
    %swap3A_53 = arith.constant 64 : index
    %swap3A_54 = tpu.vector_load %arg7[%swap3A_53] {strides = array<i32>} : memref<80xi32, #tpu.memory_space<vmem>>, vector<16xi32>,
    tpu.vector_store %arg7[%swap3A_53], %get3A_52 {strides = array<i32>} : memref<80xi32, #tpu.memory_space<vmem>>, vector<16xi32>,
    %dma_start3A_55 = arith.constant 0 : i32
    %dma_start3A_56 = tpu.memref_slice %arg5[%dma_start3A_55] : memref<160xi32, #tpu.memory_space<vmem>> -> memref<80xi32, #tpu.memory_space<vmem>>
    %dma_start3A_57 = arith.constant 0 : i32
    %dma_start3A_58 = arith.constant 0 : i32
    %dma_start3A_59 = tpu.memref_slice %arg2[%dma_start3A_57, %dma_start3A_58] : memref<10240x128xf32, #tpu.memory_space<hbm>> -> memref<10240x128xf32, #tpu.memory_space<hbm>>
    tpu.enqueue_indirect_dma source(%dma_start3A_59 : memref<10240x128xf32, #tpu.memory_space<hbm>>) target(%arg9 : memref<80x128xf32, #tpu.memory_space<vmem>>) offsets(%dma_start3A_56 : memref<80xi32, #tpu.memory_space<vmem>>) semaphore(%arg13 : memref<!tpu.dma_semaphore, #tpu.memory_space<semaphore_mem>>)
    %dma_wait3A = arith.constant 0 : i32
    %dma_wait3A_60 = tpu.memref_slice %arg5[%dma_wait3A] : memref<160xi32, #tpu.memory_space<vmem>> -> memref<80xi32, #tpu.memory_space<vmem>>
    %dma_wait3A_61 = arith.constant 0 : i32
    %dma_wait3A_62 = arith.constant 0 : i32
    %dma_wait3A_63 = tpu.memref_slice %arg2[%dma_wait3A_61, %dma_wait3A_62] : memref<10240x128xf32, #tpu.memory_space<hbm>> -> memref<10240x128xf32, #tpu.memory_space<hbm>>
    tpu.wait_indirect_dma semaphore(%arg13 : memref<!tpu.dma_semaphore, #tpu.memory_space<semaphore_mem>>) src(%dma_wait3A_63 : memref<10240x128xf32, #tpu.memory_space<hbm>>) dst(%arg9 : memref<80x128xf32, #tpu.memory_space<vmem>>)
    %dma_start3A_64 = arith.constant 0 : i32
    %dma_start3A_65 = arith.constant 0 : i32
    %dma_start3A_66 = tpu.memref_slice %arg12[%dma_start3A_64, %dma_start3A_65] : memref<10240x128xf32, #tpu.memory_space<vmem_shared>> -> memref<10240x128xf32, #tpu.memory_space<vmem_shared>>
    tpu.enqueue_indirect_dma source(%arg9 : memref<80x128xf32, #tpu.memory_space<vmem>>) target(%dma_start3A_66 : memref<10240x128xf32, #tpu.memory_space<vmem_shared>>) offsets(%arg7 : memref<80xi32, #tpu.memory_space<vmem>>) semaphore(%arg14 : memref<!tpu.dma_semaphore, #tpu.memory_space<semaphore_mem>>) {add = true}
    %scan3A_67 = arith.constant 0 : i32
    %scan3A_68 = arith.constant 0 : i32
    %scan3A_69 = arith.constant 62 : i32
    %scan3A_70 = arith.addi %scan3A_68, %scan3A_69 : i32
    %scan3A_71 = arith.constant 1 : i32
    scf.for %scan3A_104 = %scan3A_68 to %scan3A_70 step %scan3A_71  : i32 {
      %mul3A_105 = arith.constant 2 : i32
      %mul3A_106 = arith.muli %scan3A_104, %mul3A_105 : i32
      %add3A_107 = arith.constant 1 : i32
      %add3A_108 = arith.addi %add3A_107, %mul3A_106 : i32
      %dma_wait3A_109 = arith.constant 0 : i32
      %dma_wait3A_110 = tpu.memref_slice %arg3[%dma_wait3A_109] : memref<640000xi32, #tpu.memory_space<hbm>> -> memref<160xi32, #tpu.memory_space<hbm>>
      %dma_wait3A_111 = arith.constant 0 : i32
      %dma_wait3A_112 = tpu.memref_slice %arg3[%dma_wait3A_111] : memref<640000xi32, #tpu.memory_space<hbm>> -> memref<160xi32, #tpu.memory_space<hbm>>
      tpu.wait_dma2 semaphore(%arg16 : memref<!tpu.dma_semaphore, #tpu.memory_space<semaphore_mem>>) src(%dma_wait3A_112 : memref<160xi32, #tpu.memory_space<hbm>>) dst(%arg6 : memref<160xi32, #tpu.memory_space<vmem>>)
      %get3A_113 = arith.constant 80 : index
      %get3A_114 = tpu.vector_load %arg6[%get3A_113] {strides = array<i32>} : memref<160xi32, #tpu.memory_space<vmem>>, vector<16xi32>,
      %swap3A_115 = arith.constant 0 : index
      %swap3A_116 = tpu.vector_load %arg8[%swap3A_115] {strides = array<i32>} : memref<80xi32, #tpu.memory_space<vmem>>, vector<16xi32>,
      tpu.vector_store %arg8[%swap3A_115], %get3A_114 {strides = array<i32>} : memref<80xi32, #tpu.memory_space<vmem>>, vector<16xi32>,
      %get3A_117 = arith.constant 96 : index
      %get3A_118 = tpu.vector_load %arg6[%get3A_117] {strides = array<i32>} : memref<160xi32, #tpu.memory_space<vmem>>, vector<16xi32>,
      %swap3A_119 = arith.constant 16 : index
      %swap3A_120 = tpu.vector_load %arg8[%swap3A_119] {strides = array<i32>} : memref<80xi32, #tpu.memory_space<vmem>>, vector<16xi32>,
      tpu.vector_store %arg8[%swap3A_119], %get3A_118 {strides = array<i32>} : memref<80xi32, #tpu.memory_space<vmem>>, vector<16xi32>,
      %get3A_121 = arith.constant 112 : index
      %get3A_122 = tpu.vector_load %arg6[%get3A_121] {strides = array<i32>} : memref<160xi32, #tpu.memory_space<vmem>>, vector<16xi32>,
      %swap3A_123 = arith.constant 32 : index
      %swap3A_124 = tpu.vector_load %arg8[%swap3A_123] {strides = array<i32>} : memref<80xi32, #tpu.memory_space<vmem>>, vector<16xi32>,
      tpu.vector_store %arg8[%swap3A_123], %get3A_122 {strides = array<i32>} : memref<80xi32, #tpu.memory_space<vmem>>, vector<16xi32>,
      %get3A_125 = arith.constant 128 : index
      %get3A_126 = tpu.vector_load %arg6[%get3A_125] {strides = array<i32>} : memref<160xi32, #tpu.memory_space<vmem>>, vector<16xi32>,
      %swap3A_127 = arith.constant 48 : index
      %swap3A_128 = tpu.vector_load %arg8[%swap3A_127] {strides = array<i32>} : memref<80xi32, #tpu.memory_space<vmem>>, vector<16xi32>,
      tpu.vector_store %arg8[%swap3A_127], %get3A_126 {strides = array<i32>} : memref<80xi32, #tpu.memory_space<vmem>>, vector<16xi32>,
      %get3A_129 = arith.constant 144 : index
      %get3A_130 = tpu.vector_load %arg6[%get3A_129] {strides = array<i32>} : memref<160xi32, #tpu.memory_space<vmem>>, vector<16xi32>,
      %swap3A_131 = arith.constant 64 : index
      %swap3A_132 = tpu.vector_load %arg8[%swap3A_131] {strides = array<i32>} : memref<80xi32, #tpu.memory_space<vmem>>, vector<16xi32>,
      tpu.vector_store %arg8[%swap3A_131], %get3A_130 {strides = array<i32>} : memref<80xi32, #tpu.memory_space<vmem>>, vector<16xi32>,
      %dma_start3A_133 = arith.constant 0 : i32
      %dma_start3A_134 = tpu.memref_slice %arg6[%dma_start3A_133] : memref<160xi32, #tpu.memory_space<vmem>> -> memref<80xi32, #tpu.memory_space<vmem>>
      %dma_start3A_135 = arith.constant 0 : i32
      %dma_start3A_136 = arith.constant 0 : i32
      %dma_start3A_137 = tpu.memref_slice %arg2[%dma_start3A_135, %dma_start3A_136] : memref<10240x128xf32, #tpu.memory_space<hbm>> -> memref<10240x128xf32, #tpu.memory_space<hbm>>
      tpu.enqueue_indirect_dma source(%dma_start3A_137 : memref<10240x128xf32, #tpu.memory_space<hbm>>) target(%arg10 : memref<80x128xf32, #tpu.memory_space<vmem>>) offsets(%dma_start3A_134 : memref<80xi32, #tpu.memory_space<vmem>>) semaphore(%arg13 : memref<!tpu.dma_semaphore, #tpu.memory_space<semaphore_mem>>)
      %dma_wait3A_138 = arith.constant 0 : i32
      %dma_wait3A_139 = tpu.memref_slice %arg6[%dma_wait3A_138] : memref<160xi32, #tpu.memory_space<vmem>> -> memref<80xi32, #tpu.memory_space<vmem>>
      %dma_wait3A_140 = arith.constant 0 : i32
      %dma_wait3A_141 = arith.constant 0 : i32
      %dma_wait3A_142 = tpu.memref_slice %arg2[%dma_wait3A_140, %dma_wait3A_141] : memref<10240x128xf32, #tpu.memory_space<hbm>> -> memref<10240x128xf32, #tpu.memory_space<hbm>>
      tpu.wait_indirect_dma semaphore(%arg13 : memref<!tpu.dma_semaphore, #tpu.memory_space<semaphore_mem>>) src(%dma_wait3A_142 : memref<10240x128xf32, #tpu.memory_space<hbm>>) dst(%arg10 : memref<80x128xf32, #tpu.memory_space<vmem>>)
      %dma_wait3A_143 = arith.constant 0 : i32
      %dma_wait3A_144 = arith.constant 0 : i32
      %dma_wait3A_145 = tpu.memref_slice %arg12[%dma_wait3A_143, %dma_wait3A_144] : memref<10240x128xf32, #tpu.memory_space<vmem_shared>> -> memref<80x128xf32, #tpu.memory_space<vmem_shared>>
      %dma_wait3A_146 = arith.constant 0 : i32
      %dma_wait3A_147 = arith.constant 0 : i32
      %dma_wait3A_148 = tpu.memref_slice %arg12[%dma_wait3A_146, %dma_wait3A_147] : memref<10240x128xf32, #tpu.memory_space<vmem_shared>> -> memref<80x128xf32, #tpu.memory_space<vmem_shared>>
      tpu.wait_dma2 semaphore(%arg14 : memref<!tpu.dma_semaphore, #tpu.memory_space<semaphore_mem>>) src(%arg9 : memref<80x128xf32, #tpu.memory_space<vmem>>) dst(%dma_wait3A_148 : memref<80x128xf32, #tpu.memory_space<vmem_shared>>)
      %add3A_149 = arith.constant 1 : i32
      %add3A_150 = arith.addi %add3A_108, %add3A_149 : i32
      %min3A_151 = arith.constant 124 : i32
      %min3A_152 = arith.minsi %add3A_150, %min3A_151 : i32
      %mul3A_153 = arith.constant 2 : i32
      %mul3A_154 = arith.muli %min3A_152, %mul3A_153 : i32
      %mul3A_155 = arith.constant 80 : i32
      %mul3A_156 = arith.muli %mul3A_154, %mul3A_155 : i32
      %add3A_157 = arith.addi %mul3A_6, %mul3A_156 : i32
      %dma_start3A_158 = tpu.memref_slice %arg3[%add3A_157] : memref<640000xi32, #tpu.memory_space<hbm>> -> memref<160xi32, #tpu.memory_space<hbm>>
      %dma_start3A_159 = tpu.memref_slice %arg3[%add3A_157] : memref<640000xi32, #tpu.memory_space<hbm>> -> memref<160xi32, #tpu.memory_space<hbm>>
      tpu.enqueue_dma source(%dma_start3A_159 : memref<160xi32, #tpu.memory_space<hbm>>) target(%arg5 : memref<160xi32, #tpu.memory_space<vmem>>) target_semaphore(%arg15 : memref<!tpu.dma_semaphore, #tpu.memory_space<semaphore_mem>>)
      %dma_start3A_160 = arith.constant 0 : i32
      %dma_start3A_161 = arith.constant 0 : i32
      %dma_start3A_162 = tpu.memref_slice %arg12[%dma_start3A_160, %dma_start3A_161] : memref<10240x128xf32, #tpu.memory_space<vmem_shared>> -> memref<10240x128xf32, #tpu.memory_space<vmem_shared>>
      tpu.enqueue_indirect_dma source(%arg10 : memref<80x128xf32, #tpu.memory_space<vmem>>) target(%dma_start3A_162 : memref<10240x128xf32, #tpu.memory_space<vmem_shared>>) offsets(%arg8 : memref<80xi32, #tpu.memory_space<vmem>>) semaphore(%arg14 : memref<!tpu.dma_semaphore, #tpu.memory_space<semaphore_mem>>) {add = true}
      %dma_wait3A_163 = arith.constant 0 : i32
      %dma_wait3A_164 = tpu.memref_slice %arg3[%dma_wait3A_163] : memref<640000xi32, #tpu.memory_space<hbm>> -> memref<160xi32, #tpu.memory_space<hbm>>
      %dma_wait3A_165 = arith.constant 0 : i32
      %dma_wait3A_166 = tpu.memref_slice %arg3[%dma_wait3A_165] : memref<640000xi32, #tpu.memory_space<hbm>> -> memref<160xi32, #tpu.memory_space<hbm>>
      tpu.wait_dma2 semaphore(%arg15 : memref<!tpu.dma_semaphore, #tpu.memory_space<semaphore_mem>>) src(%dma_wait3A_166 : memref<160xi32, #tpu.memory_space<hbm>>) dst(%arg5 : memref<160xi32, #tpu.memory_space<vmem>>)
      %get3A_167 = arith.constant 80 : index
      %get3A_168 = tpu.vector_load %arg5[%get3A_167] {strides = array<i32>} : memref<160xi32, #tpu.memory_space<vmem>>, vector<16xi32>,
      %swap3A_169 = arith.constant 0 : index
      %swap3A_170 = tpu.vector_load %arg7[%swap3A_169] {strides = array<i32>} : memref<80xi32, #tpu.memory_space<vmem>>, vector<16xi32>,
      tpu.vector_store %arg7[%swap3A_169], %get3A_168 {strides = array<i32>} : memref<80xi32, #tpu.memory_space<vmem>>, vector<16xi32>,
      %get3A_171 = arith.constant 96 : index
      %get3A_172 = tpu.vector_load %arg5[%get3A_171] {strides = array<i32>} : memref<160xi32, #tpu.memory_space<vmem>>, vector<16xi32>,
      %swap3A_173 = arith.constant 16 : index
      %swap3A_174 = tpu.vector_load %arg7[%swap3A_173] {strides = array<i32>} : memref<80xi32, #tpu.memory_space<vmem>>, vector<16xi32>,
      tpu.vector_store %arg7[%swap3A_173], %get3A_172 {strides = array<i32>} : memref<80xi32, #tpu.memory_space<vmem>>, vector<16xi32>,
      %get3A_175 = arith.constant 112 : index
      %get3A_176 = tpu.vector_load %arg5[%get3A_175] {strides = array<i32>} : memref<160xi32, #tpu.memory_space<vmem>>, vector<16xi32>,
      %swap3A_177 = arith.constant 32 : index
      %swap3A_178 = tpu.vector_load %arg7[%swap3A_177] {strides = array<i32>} : memref<80xi32, #tpu.memory_space<vmem>>, vector<16xi32>,
      tpu.vector_store %arg7[%swap3A_177], %get3A_176 {strides = array<i32>} : memref<80xi32, #tpu.memory_space<vmem>>, vector<16xi32>,
      %get3A_179 = arith.constant 128 : index
      %get3A_180 = tpu.vector_load %arg5[%get3A_179] {strides = array<i32>} : memref<160xi32, #tpu.memory_space<vmem>>, vector<16xi32>,
      %swap3A_181 = arith.constant 48 : index
      %swap3A_182 = tpu.vector_load %arg7[%swap3A_181] {strides = array<i32>} : memref<80xi32, #tpu.memory_space<vmem>>, vector<16xi32>,
      tpu.vector_store %arg7[%swap3A_181], %get3A_180 {strides = array<i32>} : memref<80xi32, #tpu.memory_space<vmem>>, vector<16xi32>,
      %get3A_183 = arith.constant 144 : index
      %get3A_184 = tpu.vector_load %arg5[%get3A_183] {strides = array<i32>} : memref<160xi32, #tpu.memory_space<vmem>>, vector<16xi32>,
      %swap3A_185 = arith.constant 64 : index
      %swap3A_186 = tpu.vector_load %arg7[%swap3A_185] {strides = array<i32>} : memref<80xi32, #tpu.memory_space<vmem>>, vector<16xi32>,
      tpu.vector_store %arg7[%swap3A_185], %get3A_184 {strides = array<i32>} : memref<80xi32, #tpu.memory_space<vmem>>, vector<16xi32>,
      %dma_start3A_187 = arith.constant 0 : i32
      %dma_start3A_188 = tpu.memref_slice %arg5[%dma_start3A_187] : memref<160xi32, #tpu.memory_space<vmem>> -> memref<80xi32, #tpu.memory_space<vmem>>
      %dma_start3A_189 = arith.constant 0 : i32
      %dma_start3A_190 = arith.constant 0 : i32
      %dma_start3A_191 = tpu.memref_slice %arg2[%dma_start3A_189, %dma_start3A_190] : memref<10240x128xf32, #tpu.memory_space<hbm>> -> memref<10240x128xf32, #tpu.memory_space<hbm>>
      tpu.enqueue_indirect_dma source(%dma_start3A_191 : memref<10240x128xf32, #tpu.memory_space<hbm>>) target(%arg9 : memref<80x128xf32, #tpu.memory_space<vmem>>) offsets(%dma_start3A_188 : memref<80xi32, #tpu.memory_space<vmem>>) semaphore(%arg13 : memref<!tpu.dma_semaphore, #tpu.memory_space<semaphore_mem>>)
      %dma_wait3A_192 = arith.constant 0 : i32
      %dma_wait3A_193 = tpu.memref_slice %arg5[%dma_wait3A_192] : memref<160xi32, #tpu.memory_space<vmem>> -> memref<80xi32, #tpu.memory_space<vmem>>
      %dma_wait3A_194 = arith.constant 0 : i32
      %dma_wait3A_195 = arith.constant 0 : i32
      %dma_wait3A_196 = tpu.memref_slice %arg2[%dma_wait3A_194, %dma_wait3A_195] : memref<10240x128xf32, #tpu.memory_space<hbm>> -> memref<10240x128xf32, #tpu.memory_space<hbm>>
      tpu.wait_indirect_dma semaphore(%arg13 : memref<!tpu.dma_semaphore, #tpu.memory_space<semaphore_mem>>) src(%dma_wait3A_196 : memref<10240x128xf32, #tpu.memory_space<hbm>>) dst(%arg9 : memref<80x128xf32, #tpu.memory_space<vmem>>)
      %dma_wait3A_197 = arith.constant 0 : i32
      %dma_wait3A_198 = arith.constant 0 : i32
      %dma_wait3A_199 = tpu.memref_slice %arg12[%dma_wait3A_197, %dma_wait3A_198] : memref<10240x128xf32, #tpu.memory_space<vmem_shared>> -> memref<80x128xf32, #tpu.memory_space<vmem_shared>>
      %dma_wait3A_200 = arith.constant 0 : i32
      %dma_wait3A_201 = arith.constant 0 : i32
      %dma_wait3A_202 = tpu.memref_slice %arg12[%dma_wait3A_200, %dma_wait3A_201] : memref<10240x128xf32, #tpu.memory_space<vmem_shared>> -> memref<80x128xf32, #tpu.memory_space<vmem_shared>>
      tpu.wait_dma2 semaphore(%arg14 : memref<!tpu.dma_semaphore, #tpu.memory_space<semaphore_mem>>) src(%arg10 : memref<80x128xf32, #tpu.memory_space<vmem>>) dst(%dma_wait3A_202 : memref<80x128xf32, #tpu.memory_space<vmem_shared>>)
      %add3A_203 = arith.constant 2 : i32
      %add3A_204 = arith.addi %add3A_108, %add3A_203 : i32
      %min3A_205 = arith.constant 124 : i32
      %min3A_206 = arith.minsi %add3A_204, %min3A_205 : i32
      %mul3A_207 = arith.constant 2 : i32
      %mul3A_208 = arith.muli %min3A_206, %mul3A_207 : i32
      %mul3A_209 = arith.constant 80 : i32
      %mul3A_210 = arith.muli %mul3A_208, %mul3A_209 : i32
      %add3A_211 = arith.addi %mul3A_6, %mul3A_210 : i32
      %dma_start3A_212 = tpu.memref_slice %arg3[%add3A_211] : memref<640000xi32, #tpu.memory_space<hbm>> -> memref<160xi32, #tpu.memory_space<hbm>>
      %dma_start3A_213 = tpu.memref_slice %arg3[%add3A_211] : memref<640000xi32, #tpu.memory_space<hbm>> -> memref<160xi32, #tpu.memory_space<hbm>>
      tpu.enqueue_dma source(%dma_start3A_213 : memref<160xi32, #tpu.memory_space<hbm>>) target(%arg6 : memref<160xi32, #tpu.memory_space<vmem>>) target_semaphore(%arg16 : memref<!tpu.dma_semaphore, #tpu.memory_space<semaphore_mem>>)
      %dma_start3A_214 = arith.constant 0 : i32
      %dma_start3A_215 = arith.constant 0 : i32
      %dma_start3A_216 = tpu.memref_slice %arg12[%dma_start3A_214, %dma_start3A_215] : memref<10240x128xf32, #tpu.memory_space<vmem_shared>> -> memref<10240x128xf32, #tpu.memory_space<vmem_shared>>
      tpu.enqueue_indirect_dma source(%arg9 : memref<80x128xf32, #tpu.memory_space<vmem>>) target(%dma_start3A_216 : memref<10240x128xf32, #tpu.memory_space<vmem_shared>>) offsets(%arg7 : memref<80xi32, #tpu.memory_space<vmem>>) semaphore(%arg14 : memref<!tpu.dma_semaphore, #tpu.memory_space<semaphore_mem>>) {add = true}
    }
    %scan3A_72 = arith.constant 62 : i32
    %dma_wait3A_73 = arith.constant 0 : i32
    %dma_wait3A_74 = arith.constant 0 : i32
    %dma_wait3A_75 = tpu.memref_slice %arg12[%dma_wait3A_73, %dma_wait3A_74] : memref<10240x128xf32, #tpu.memory_space<vmem_shared>> -> memref<80x128xf32, #tpu.memory_space<vmem_shared>>
    %dma_wait3A_76 = arith.constant 0 : i32
    %dma_wait3A_77 = arith.constant 0 : i32
    %dma_wait3A_78 = tpu.memref_slice %arg12[%dma_wait3A_76, %dma_wait3A_77] : memref<10240x128xf32, #tpu.memory_space<vmem_shared>> -> memref<80x128xf32, #tpu.memory_space<vmem_shared>>
    tpu.wait_dma2 semaphore(%arg14 : memref<!tpu.dma_semaphore, #tpu.memory_space<semaphore_mem>>) src(%arg9 : memref<80x128xf32, #tpu.memory_space<vmem>>) dst(%dma_wait3A_78 : memref<80x128xf32, #tpu.memory_space<vmem_shared>>)
    %dma_wait3A_79 = arith.constant 0 : i32
    %dma_wait3A_80 = tpu.memref_slice %arg3[%dma_wait3A_79] : memref<640000xi32, #tpu.memory_space<hbm>> -> memref<160xi32, #tpu.memory_space<hbm>>
    %dma_wait3A_81 = arith.constant 0 : i32
    %dma_wait3A_82 = tpu.memref_slice %arg3[%dma_wait3A_81] : memref<640000xi32, #tpu.memory_space<hbm>> -> memref<160xi32, #tpu.memory_space<hbm>>
    tpu.wait_dma2 semaphore(%arg16 : memref<!tpu.dma_semaphore, #tpu.memory_space<semaphore_mem>>) src(%dma_wait3A_82 : memref<160xi32, #tpu.memory_space<hbm>>) dst(%arg6 : memref<160xi32, #tpu.memory_space<vmem>>)
    %barrier3A_83 = arith.constant 0 : index
    tpu.barrier barrier_id(%barrier3A_83)
    %add3A_84 = arith.constant 0 : i32
    %add3A_85 = arith.addi %mul3A_16, %add3A_84 : i32
    "tpu.region"() ({
      %run_scoped3A = tpu.sem_alloc : memref<!tpu.dma_semaphore, #tpu.memory_space<semaphore_mem>>
      %dma_start3A_104 = arith.constant 0 : i32
      %dma_start3A_105 = tpu.memref_slice %arg12[%add3A_85, %dma_start3A_104] : memref<10240x128xf32, #tpu.memory_space<vmem_shared>> -> memref<128x128xf32, #tpu.memory_space<vmem_shared>>
      %dma_start3A_106 = arith.constant 0 : i32
      %dma_start3A_107 = tpu.memref_slice %arg12[%add3A_85, %dma_start3A_106] : memref<10240x128xf32, #tpu.memory_space<vmem_shared>> -> memref<128x128xf32, #tpu.memory_space<vmem_shared>>
      tpu.enqueue_dma source(%dma_start3A_107 : memref<128x128xf32, #tpu.memory_space<vmem_shared>>) target(%arg11 : memref<128x128xf32, #tpu.memory_space<vmem>>) target_semaphore(%run_scoped3A : memref<!tpu.dma_semaphore, #tpu.memory_space<semaphore_mem>>)
      %dma_wait3A_108 = arith.constant 0 : i32
      %dma_wait3A_109 = tpu.memref_slice %arg12[%add3A_85, %dma_wait3A_108] : memref<10240x128xf32, #tpu.memory_space<vmem_shared>> -> memref<128x128xf32, #tpu.memory_space<vmem_shared>>
      %dma_wait3A_110 = arith.constant 0 : i32
      %dma_wait3A_111 = tpu.memref_slice %arg12[%add3A_85, %dma_wait3A_110] : memref<10240x128xf32, #tpu.memory_space<vmem_shared>> -> memref<128x128xf32, #tpu.memory_space<vmem_shared>>
      tpu.wait_dma2 semaphore(%run_scoped3A : memref<!tpu.dma_semaphore, #tpu.memory_space<semaphore_mem>>) src(%dma_wait3A_111 : memref<128x128xf32, #tpu.memory_space<vmem_shared>>) dst(%arg11 : memref<128x128xf32, #tpu.memory_space<vmem>>)
      tpu.yield
    }) : () -> ()
    %add3A_86 = arith.constant 0 : i32
    %add3A_87 = arith.addi %mul3A_16, %add3A_86 : i32
    "tpu.region"() ({
      %run_scoped3A = tpu.sem_alloc : memref<!tpu.dma_semaphore, #tpu.memory_space<semaphore_mem>>
      %dma_start3A_104 = arith.constant 0 : i32
      %dma_start3A_105 = tpu.memref_slice %arg4[%arg0, %add3A_87, %dma_start3A_104] : memref<2x10240x128xf32, #tpu.memory_space<hbm>> -> memref<1x128x128xf32, #tpu.memory_space<hbm>>
      %dma_start3A_106 = tpu.memref_squeeze %dma_start3A_105 : memref<1x128x128xf32, #tpu.memory_space<hbm>> -> memref<128x128xf32, #tpu.memory_space<hbm>>
      %dma_start3A_107 = arith.constant 0 : i32
      %dma_start3A_108 = tpu.memref_slice %arg4[%arg0, %add3A_87, %dma_start3A_107] : memref<2x10240x128xf32, #tpu.memory_space<hbm>> -> memref<1x128x128xf32, #tpu.memory_space<hbm>>
      %dma_start3A_109 = tpu.memref_squeeze %dma_start3A_108 : memref<1x128x128xf32, #tpu.memory_space<hbm>> -> memref<128x128xf32, #tpu.memory_space<hbm>>
      tpu.enqueue_dma source(%arg11 : memref<128x128xf32, #tpu.memory_space<vmem>>) target(%dma_start3A_109 : memref<128x128xf32, #tpu.memory_space<hbm>>) target_semaphore(%run_scoped3A : memref<!tpu.dma_semaphore, #tpu.memory_space<semaphore_mem>>)
      %dma_wait3A_110 = arith.constant 0 : i32
      %dma_wait3A_111 = tpu.memref_slice %arg4[%arg0, %add3A_87, %dma_wait3A_110] : memref<2x10240x128xf32, #tpu.memory_space<hbm>> -> memref<1x128x128xf32, #tpu.memory_space<hbm>>
      %dma_wait3A_112 = tpu.memref_squeeze %dma_wait3A_111 : memref<1x128x128xf32, #tpu.memory_space<hbm>> -> memref<128x128xf32, #tpu.memory_space<hbm>>
      %dma_wait3A_113 = arith.constant 0 : i32
      %dma_wait3A_114 = tpu.memref_slice %arg4[%arg0, %add3A_87, %dma_wait3A_113] : memref<2x10240x128xf32, #tpu.memory_space<hbm>> -> memref<1x128x128xf32, #tpu.memory_space<hbm>>
      %dma_wait3A_115 = tpu.memref_squeeze %dma_wait3A_114 : memref<1x128x128xf32, #tpu.memory_space<hbm>> -> memref<128x128xf32, #tpu.memory_space<hbm>>
      tpu.wait_dma2 semaphore(%run_scoped3A : memref<!tpu.dma_semaphore, #tpu.memory_space<semaphore_mem>>) src(%arg11 : memref<128x128xf32, #tpu.memory_space<vmem>>) dst(%dma_wait3A_115 : memref<128x128xf32, #tpu.memory_space<hbm>>)
      tpu.yield
    }) : () -> ()
    %add3A_88 = arith.constant 128 : i32
    %add3A_89 = arith.addi %mul3A_16, %add3A_88 : i32
    "tpu.region"() ({
      %run_scoped3A = tpu.sem_alloc : memref<!tpu.dma_semaphore, #tpu.memory_space<semaphore_mem>>
      %dma_start3A_104 = arith.constant 0 : i32
      %dma_start3A_105 = tpu.memref_slice %arg12[%add3A_89, %dma_start3A_104] : memref<10240x128xf32, #tpu.memory_space<vmem_shared>> -> memref<128x128xf32, #tpu.memory_space<vmem_shared>>
      %dma_start3A_106 = arith.constant 0 : i32
      %dma_start3A_107 = tpu.memref_slice %arg12[%add3A_89, %dma_start3A_106] : memref<10240x128xf32, #tpu.memory_space<vmem_shared>> -> memref<128x128xf32, #tpu.memory_space<vmem_shared>>
      tpu.enqueue_dma source(%dma_start3A_107 : memref<128x128xf32, #tpu.memory_space<vmem_shared>>) target(%arg11 : memref<128x128xf32, #tpu.memory_space<vmem>>) target_semaphore(%run_scoped3A : memref<!tpu.dma_semaphore, #tpu.memory_space<semaphore_mem>>)
      %dma_wait3A_108 = arith.constant 0 : i32
      %dma_wait3A_109 = tpu.memref_slice %arg12[%add3A_89, %dma_wait3A_108] : memref<10240x128xf32, #tpu.memory_space<vmem_shared>> -> memref<128x128xf32, #tpu.memory_space<vmem_shared>>
      %dma_wait3A_110 = arith.constant 0 : i32
      %dma_wait3A_111 = tpu.memref_slice %arg12[%add3A_89, %dma_wait3A_110] : memref<10240x128xf32, #tpu.memory_space<vmem_shared>> -> memref<128x128xf32, #tpu.memory_space<vmem_shared>>
      tpu.wait_dma2 semaphore(%run_scoped3A : memref<!tpu.dma_semaphore, #tpu.memory_space<semaphore_mem>>) src(%dma_wait3A_111 : memref<128x128xf32, #tpu.memory_space<vmem_shared>>) dst(%arg11 : memref<128x128xf32, #tpu.memory_space<vmem>>)
      tpu.yield
    }) : () -> ()
    %add3A_90 = arith.constant 128 : i32
    %add3A_91 = arith.addi %mul3A_16, %add3A_90 : i32
    "tpu.region"() ({
      %run_scoped3A = tpu.sem_alloc : memref<!tpu.dma_semaphore, #tpu.memory_space<semaphore_mem>>
      %dma_start3A_104 = arith.constant 0 : i32
      %dma_start3A_105 = tpu.memref_slice %arg4[%arg0, %add3A_91, %dma_start3A_104] : memref<2x10240x128xf32, #tpu.memory_space<hbm>> -> memref<1x128x128xf32, #tpu.memory_space<hbm>>
      %dma_start3A_106 = tpu.memref_squeeze %dma_start3A_105 : memref<1x128x128xf32, #tpu.memory_space<hbm>> -> memref<128x128xf32, #tpu.memory_space<hbm>>
      %dma_start3A_107 = arith.constant 0 : i32
      %dma_start3A_108 = tpu.memref_slice %arg4[%arg0, %add3A_91, %dma_start3A_107] : memref<2x10240x128xf32, #tpu.memory_space<hbm>> -> memref<1x128x128xf32, #tpu.memory_space<hbm>>
      %dma_start3A_109 = tpu.memref_squeeze %dma_start3A_108 : memref<1x128x128xf32, #tpu.memory_space<hbm>> -> memref<128x128xf32, #tpu.memory_space<hbm>>
      tpu.enqueue_dma source(%arg11 : memref<128x128xf32, #tpu.memory_space<vmem>>) target(%dma_start3A_109 : memref<128x128xf32, #tpu.memory_space<hbm>>) target_semaphore(%run_scoped3A : memref<!tpu.dma_semaphore, #tpu.memory_space<semaphore_mem>>)
      %dma_wait3A_110 = arith.constant 0 : i32
      %dma_wait3A_111 = tpu.memref_slice %arg4[%arg0, %add3A_91, %dma_wait3A_110] : memref<2x10240x128xf32, #tpu.memory_space<hbm>> -> memref<1x128x128xf32, #tpu.memory_space<hbm>>
      %dma_wait3A_112 = tpu.memref_squeeze %dma_wait3A_111 : memref<1x128x128xf32, #tpu.memory_space<hbm>> -> memref<128x128xf32, #tpu.memory_space<hbm>>
      %dma_wait3A_113 = arith.constant 0 : i32
      %dma_wait3A_114 = tpu.memref_slice %arg4[%arg0, %add3A_91, %dma_wait3A_113] : memref<2x10240x128xf32, #tpu.memory_space<hbm>> -> memref<1x128x128xf32, #tpu.memory_space<hbm>>
      %dma_wait3A_115 = tpu.memref_squeeze %dma_wait3A_114 : memref<1x128x128xf32, #tpu.memory_space<hbm>> -> memref<128x128xf32, #tpu.memory_space<hbm>>
      tpu.wait_dma2 semaphore(%run_scoped3A : memref<!tpu.dma_semaphore, #tpu.memory_space<semaphore_mem>>) src(%arg11 : memref<128x128xf32, #tpu.memory_space<vmem>>) dst(%dma_wait3A_115 : memref<128x128xf32, #tpu.memory_space<hbm>>)
      tpu.yield
    }) : () -> ()
    %add3A_92 = arith.constant 256 : i32
    %add3A_93 = arith.addi %mul3A_16, %add3A_92 : i32
    "tpu.region"() ({
      %run_scoped3A = tpu.sem_alloc : memref<!tpu.dma_semaphore, #tpu.memory_space<semaphore_mem>>
      %dma_start3A_104 = arith.constant 0 : i32
      %dma_start3A_105 = tpu.memref_slice %arg12[%add3A_93, %dma_start3A_104] : memref<10240x128xf32, #tpu.memory_space<vmem_shared>> -> memref<128x128xf32, #tpu.memory_space<vmem_shared>>
      %dma_start3A_106 = arith.constant 0 : i32
      %dma_start3A_107 = tpu.memref_slice %arg12[%add3A_93, %dma_start3A_106] : memref<10240x128xf32, #tpu.memory_space<vmem_shared>> -> memref<128x128xf32, #tpu.memory_space<vmem_shared>>
      tpu.enqueue_dma source(%dma_start3A_107 : memref<128x128xf32, #tpu.memory_space<vmem_shared>>) target(%arg11 : memref<128x128xf32, #tpu.memory_space<vmem>>) target_semaphore(%run_scoped3A : memref<!tpu.dma_semaphore, #tpu.memory_space<semaphore_mem>>)
      %dma_wait3A_108 = arith.constant 0 : i32
      %dma_wait3A_109 = tpu.memref_slice %arg12[%add3A_93, %dma_wait3A_108] : memref<10240x128xf32, #tpu.memory_space<vmem_shared>> -> memref<128x128xf32, #tpu.memory_space<vmem_shared>>
      %dma_wait3A_110 = arith.constant 0 : i32
      %dma_wait3A_111 = tpu.memref_slice %arg12[%add3A_93, %dma_wait3A_110] : memref<10240x128xf32, #tpu.memory_space<vmem_shared>> -> memref<128x128xf32, #tpu.memory_space<vmem_shared>>
      tpu.wait_dma2 semaphore(%run_scoped3A : memref<!tpu.dma_semaphore, #tpu.memory_space<semaphore_mem>>) src(%dma_wait3A_111 : memref<128x128xf32, #tpu.memory_space<vmem_shared>>) dst(%arg11 : memref<128x128xf32, #tpu.memory_space<vmem>>)
      tpu.yield
    }) : () -> ()
    %add3A_94 = arith.constant 256 : i32
    %add3A_95 = arith.addi %mul3A_16, %add3A_94 : i32
    "tpu.region"() ({
      %run_scoped3A = tpu.sem_alloc : memref<!tpu.dma_semaphore, #tpu.memory_space<semaphore_mem>>
      %dma_start3A_104 = arith.constant 0 : i32
      %dma_start3A_105 = tpu.memref_slice %arg4[%arg0, %add3A_95, %dma_start3A_104] : memref<2x10240x128xf32, #tpu.memory_space<hbm>> -> memref<1x128x128xf32, #tpu.memory_space<hbm>>
      %dma_start3A_106 = tpu.memref_squeeze %dma_start3A_105 : memref<1x128x128xf32, #tpu.memory_space<hbm>> -> memref<128x128xf32, #tpu.memory_space<hbm>>
      %dma_start3A_107 = arith.constant 0 : i32
      %dma_start3A_108 = tpu.memref_slice %arg4[%arg0, %add3A_95, %dma_start3A_107] : memref<2x10240x128xf32, #tpu.memory_space<hbm>> -> memref<1x128x128xf32, #tpu.memory_space<hbm>>
      %dma_start3A_109 = tpu.memref_squeeze %dma_start3A_108 : memref<1x128x128xf32, #tpu.memory_space<hbm>> -> memref<128x128xf32, #tpu.memory_space<hbm>>
      tpu.enqueue_dma source(%arg11 : memref<128x128xf32, #tpu.memory_space<vmem>>) target(%dma_start3A_109 : memref<128x128xf32, #tpu.memory_space<hbm>>) target_semaphore(%run_scoped3A : memref<!tpu.dma_semaphore, #tpu.memory_space<semaphore_mem>>)
      %dma_wait3A_110 = arith.constant 0 : i32
      %dma_wait3A_111 = tpu.memref_slice %arg4[%arg0, %add3A_95, %dma_wait3A_110] : memref<2x10240x128xf32, #tpu.memory_space<hbm>> -> memref<1x128x128xf32, #tpu.memory_space<hbm>>
      %dma_wait3A_112 = tpu.memref_squeeze %dma_wait3A_111 : memref<1x128x128xf32, #tpu.memory_space<hbm>> -> memref<128x128xf32, #tpu.memory_space<hbm>>
      %dma_wait3A_113 = arith.constant 0 : i32
      %dma_wait3A_114 = tpu.memref_slice %arg4[%arg0, %add3A_95, %dma_wait3A_113] : memref<2x10240x128xf32, #tpu.memory_space<hbm>> -> memref<1x128x128xf32, #tpu.memory_space<hbm>>
      %dma_wait3A_115 = tpu.memref_squeeze %dma_wait3A_114 : memref<1x128x128xf32, #tpu.memory_space<hbm>> -> memref<128x128xf32, #tpu.memory_space<hbm>>
      tpu.wait_dma2 semaphore(%run_scoped3A : memref<!tpu.dma_semaphore, #tpu.memory_space<semaphore_mem>>) src(%arg11 : memref<128x128xf32, #tpu.memory_space<vmem>>) dst(%dma_wait3A_115 : memref<128x128xf32, #tpu.memory_space<hbm>>)
      tpu.yield
    }) : () -> ()
    %add3A_96 = arith.constant 384 : i32
    %add3A_97 = arith.addi %mul3A_16, %add3A_96 : i32
    "tpu.region"() ({
      %run_scoped3A = tpu.sem_alloc : memref<!tpu.dma_semaphore, #tpu.memory_space<semaphore_mem>>
      %dma_start3A_104 = arith.constant 0 : i32
      %dma_start3A_105 = tpu.memref_slice %arg12[%add3A_97, %dma_start3A_104] : memref<10240x128xf32, #tpu.memory_space<vmem_shared>> -> memref<128x128xf32, #tpu.memory_space<vmem_shared>>
      %dma_start3A_106 = arith.constant 0 : i32
      %dma_start3A_107 = tpu.memref_slice %arg12[%add3A_97, %dma_start3A_106] : memref<10240x128xf32, #tpu.memory_space<vmem_shared>> -> memref<128x128xf32, #tpu.memory_space<vmem_shared>>
      tpu.enqueue_dma source(%dma_start3A_107 : memref<128x128xf32, #tpu.memory_space<vmem_shared>>) target(%arg11 : memref<128x128xf32, #tpu.memory_space<vmem>>) target_semaphore(%run_scoped3A : memref<!tpu.dma_semaphore, #tpu.memory_space<semaphore_mem>>)
      %dma_wait3A_108 = arith.constant 0 : i32
      %dma_wait3A_109 = tpu.memref_slice %arg12[%add3A_97, %dma_wait3A_108] : memref<10240x128xf32, #tpu.memory_space<vmem_shared>> -> memref<128x128xf32, #tpu.memory_space<vmem_shared>>
      %dma_wait3A_110 = arith.constant 0 : i32
      %dma_wait3A_111 = tpu.memref_slice %arg12[%add3A_97, %dma_wait3A_110] : memref<10240x128xf32, #tpu.memory_space<vmem_shared>> -> memref<128x128xf32, #tpu.memory_space<vmem_shared>>
      tpu.wait_dma2 semaphore(%run_scoped3A : memref<!tpu.dma_semaphore, #tpu.memory_space<semaphore_mem>>) src(%dma_wait3A_111 : memref<128x128xf32, #tpu.memory_space<vmem_shared>>) dst(%arg11 : memref<128x128xf32, #tpu.memory_space<vmem>>)
      tpu.yield
    }) : () -> ()
    %add3A_98 = arith.constant 384 : i32
    %add3A_99 = arith.addi %mul3A_16, %add3A_98 : i32
    "tpu.region"() ({
      %run_scoped3A = tpu.sem_alloc : memref<!tpu.dma_semaphore, #tpu.memory_space<semaphore_mem>>
      %dma_start3A_104 = arith.constant 0 : i32
      %dma_start3A_105 = tpu.memref_slice %arg4[%arg0, %add3A_99, %dma_start3A_104] : memref<2x10240x128xf32, #tpu.memory_space<hbm>> -> memref<1x128x128xf32, #tpu.memory_space<hbm>>
      %dma_start3A_106 = tpu.memref_squeeze %dma_start3A_105 : memref<1x128x128xf32, #tpu.memory_space<hbm>> -> memref<128x128xf32, #tpu.memory_space<hbm>>
      %dma_start3A_107 = arith.constant 0 : i32
      %dma_start3A_108 = tpu.memref_slice %arg4[%arg0, %add3A_99, %dma_start3A_107] : memref<2x10240x128xf32, #tpu.memory_space<hbm>> -> memref<1x128x128xf32, #tpu.memory_space<hbm>>
      %dma_start3A_109 = tpu.memref_squeeze %dma_start3A_108 : memref<1x128x128xf32, #tpu.memory_space<hbm>> -> memref<128x128xf32, #tpu.memory_space<hbm>>
      tpu.enqueue_dma source(%arg11 : memref<128x128xf32, #tpu.memory_space<vmem>>) target(%dma_start3A_109 : memref<128x128xf32, #tpu.memory_space<hbm>>) target_semaphore(%run_scoped3A : memref<!tpu.dma_semaphore, #tpu.memory_space<semaphore_mem>>)
      %dma_wait3A_110 = arith.constant 0 : i32
      %dma_wait3A_111 = tpu.memref_slice %arg4[%arg0, %add3A_99, %dma_wait3A_110] : memref<2x10240x128xf32, #tpu.memory_space<hbm>> -> memref<1x128x128xf32, #tpu.memory_space<hbm>>
      %dma_wait3A_112 = tpu.memref_squeeze %dma_wait3A_111 : memref<1x128x128xf32, #tpu.memory_space<hbm>> -> memref<128x128xf32, #tpu.memory_space<hbm>>
      %dma_wait3A_113 = arith.constant 0 : i32
      %dma_wait3A_114 = tpu.memref_slice %arg4[%arg0, %add3A_99, %dma_wait3A_113] : memref<2x10240x128xf32, #tpu.memory_space<hbm>> -> memref<1x128x128xf32, #tpu.memory_space<hbm>>
      %dma_wait3A_115 = tpu.memref_squeeze %dma_wait3A_114 : memref<1x128x128xf32, #tpu.memory_space<hbm>> -> memref<128x128xf32, #tpu.memory_space<hbm>>
      tpu.wait_dma2 semaphore(%run_scoped3A : memref<!tpu.dma_semaphore, #tpu.memory_space<semaphore_mem>>) src(%arg11 : memref<128x128xf32, #tpu.memory_space<vmem>>) dst(%dma_wait3A_115 : memref<128x128xf32, #tpu.memory_space<hbm>>)
      tpu.yield
    }) : () -> ()
    %add3A_100 = arith.constant 512 : i32
    %add3A_101 = arith.addi %mul3A_16, %add3A_100 : i32
    "tpu.region"() ({
      %run_scoped3A = tpu.sem_alloc : memref<!tpu.dma_semaphore, #tpu.memory_space<semaphore_mem>>
      %dma_start3A_104 = arith.constant 0 : i32
      %dma_start3A_105 = tpu.memref_slice %arg12[%add3A_101, %dma_start3A_104] : memref<10240x128xf32, #tpu.memory_space<vmem_shared>> -> memref<128x128xf32, #tpu.memory_space<vmem_shared>>
      %dma_start3A_106 = arith.constant 0 : i32
      %dma_start3A_107 = tpu.memref_slice %arg12[%add3A_101, %dma_start3A_106] : memref<10240x128xf32, #tpu.memory_space<vmem_shared>> -> memref<128x128xf32, #tpu.memory_space<vmem_shared>>
      tpu.enqueue_dma source(%dma_start3A_107 : memref<128x128xf32, #tpu.memory_space<vmem_shared>>) target(%arg11 : memref<128x128xf32, #tpu.memory_space<vmem>>) target_semaphore(%run_scoped3A : memref<!tpu.dma_semaphore, #tpu.memory_space<semaphore_mem>>)
      %dma_wait3A_108 = arith.constant 0 : i32
      %dma_wait3A_109 = tpu.memref_slice %arg12[%add3A_101, %dma_wait3A_108] : memref<10240x128xf32, #tpu.memory_space<vmem_shared>> -> memref<128x128xf32, #tpu.memory_space<vmem_shared>>
      %dma_wait3A_110 = arith.constant 0 : i32
      %dma_wait3A_111 = tpu.memref_slice %arg12[%add3A_101, %dma_wait3A_110] : memref<10240x128xf32, #tpu.memory_space<vmem_shared>> -> memref<128x128xf32, #tpu.memory_space<vmem_shared>>
      tpu.wait_dma2 semaphore(%run_scoped3A : memref<!tpu.dma_semaphore, #tpu.memory_space<semaphore_mem>>) src(%dma_wait3A_111 : memref<128x128xf32, #tpu.memory_space<vmem_shared>>) dst(%arg11 : memref<128x128xf32, #tpu.memory_space<vmem>>)
      tpu.yield
    }) : () -> ()
    %add3A_102 = arith.constant 512 : i32
    %add3A_103 = arith.addi %mul3A_16, %add3A_102 : i32
    "tpu.region"() ({
      %run_scoped3A = tpu.sem_alloc : memref<!tpu.dma_semaphore, #tpu.memory_space<semaphore_mem>>
      %dma_start3A_104 = arith.constant 0 : i32
      %dma_start3A_105 = tpu.memref_slice %arg4[%arg0, %add3A_103, %dma_start3A_104] : memref<2x10240x128xf32, #tpu.memory_space<hbm>> -> memref<1x128x128xf32, #tpu.memory_space<hbm>>
      %dma_start3A_106 = tpu.memref_squeeze %dma_start3A_105 : memref<1x128x128xf32, #tpu.memory_space<hbm>> -> memref<128x128xf32, #tpu.memory_space<hbm>>
      %dma_start3A_107 = arith.constant 0 : i32
      %dma_start3A_108 = tpu.memref_slice %arg4[%arg0, %add3A_103, %dma_start3A_107] : memref<2x10240x128xf32, #tpu.memory_space<hbm>> -> memref<1x128x128xf32, #tpu.memory_space<hbm>>
      %dma_start3A_109 = tpu.memref_squeeze %dma_start3A_108 : memref<1x128x128xf32, #tpu.memory_space<hbm>> -> memref<128x128xf32, #tpu.memory_space<hbm>>
      tpu.enqueue_dma source(%arg11 : memref<128x128xf32, #tpu.memory_space<vmem>>) target(%dma_start3A_109 : memref<128x128xf32, #tpu.memory_space<hbm>>) target_semaphore(%run_scoped3A : memref<!tpu.dma_semaphore, #tpu.memory_space<semaphore_mem>>)
      %dma_wait3A_110 = arith.constant 0 : i32
      %dma_wait3A_111 = tpu.memref_slice %arg4[%arg0, %add3A_103, %dma_wait3A_110] : memref<2x10240x128xf32, #tpu.memory_space<hbm>> -> memref<1x128x128xf32, #tpu.memory_space<hbm>>
      %dma_wait3A_112 = tpu.memref_squeeze %dma_wait3A_111 : memref<1x128x128xf32, #tpu.memory_space<hbm>> -> memref<128x128xf32, #tpu.memory_space<hbm>>
      %dma_wait3A_113 = arith.constant 0 : i32
      %dma_wait3A_114 = tpu.memref_slice %arg4[%arg0, %add3A_103, %dma_wait3A_113] : memref<2x10240x128xf32, #tpu.memory_space<hbm>> -> memref<1x128x128xf32, #tpu.memory_space<hbm>>
      %dma_wait3A_115 = tpu.memref_squeeze %dma_wait3A_114 : memref<1x128x128xf32, #tpu.memory_space<hbm>> -> memref<128x128xf32, #tpu.memory_space<hbm>>
      tpu.wait_dma2 semaphore(%run_scoped3A : memref<!tpu.dma_semaphore, #tpu.memory_space<semaphore_mem>>) src(%arg11 : memref<128x128xf32, #tpu.memory_space<vmem>>) dst(%dma_wait3A_115 : memref<128x128xf32, #tpu.memory_space<hbm>>)
      tpu.yield
    }) : () -> ()
    return
  }
}

module attributes {stable_mosaic.version = 14 : i64} {
  func.func @_tc_layer1_body(%arg0: i32, %arg1: memref<2x256x128xf32, #tpu.memory_space<vmem>>, %arg2: memref<2x16x256xf32, #tpu.memory_space<vmem>>, %arg3: memref<256x128xf32, #tpu.memory_space<vmem>>, %arg4: memref<128x128xf32, #tpu.memory_space<vmem>>, %arg5: memref<128x128xf32, #tpu.memory_space<vmem>>, %arg6: memref<1x128xf32, #tpu.memory_space<vmem>>, %arg7: memref<256x128xf32, #tpu.memory_space<vmem>>) attributes {dimension_semantics = [#tpu.dimension_semantics<arbitrary>], iteration_bounds = array<i64: 40>, scalar_prefetch = 0 : i64, scratch_operands = 0 : i64, tpu.core_type = #tpu.core_type<tc>, window_params = [{transform_indices = @transform_0, window_bounds = array<i64: 2, 256, 128>}, {transform_indices = @transform_1, window_bounds = array<i64: 2, 16, 256>}, {transform_indices = @transform_2, window_bounds = array<i64: 256, 128>}, {pipeline_mode = #tpu.pipeline_mode<synchronous>, transform_indices = @transform_3, window_bounds = array<i64: 128, 128>}, {pipeline_mode = #tpu.pipeline_mode<synchronous>, transform_indices = @transform_4, window_bounds = array<i64: 128, 128>}, {pipeline_mode = #tpu.pipeline_mode<synchronous>, transform_indices = @transform_5, window_bounds = array<i64: 1, 128>}, {transform_indices = @transform_6, window_bounds = array<i64: 256, 128>}]} {
    %get3A = arith.constant 0 : index
    %get3A_0 = arith.constant 0 : index
    %get3A_1 = arith.constant 0 : index
    %get3A_2 = vector.load %arg1[%get3A, %get3A_0, %get3A_1] : memref<2x256x128xf32, #tpu.memory_space<vmem>>, vector<1x256x128xf32>
    %get3A_3 = vector.shape_cast %get3A_2 : vector<1x256x128xf32> to vector<256x128xf32>
    %get3A_4 = arith.constant 1 : index
    %get3A_5 = arith.constant 0 : index
    %get3A_6 = arith.constant 0 : index
    %get3A_7 = vector.load %arg1[%get3A_4, %get3A_5, %get3A_6] : memref<2x256x128xf32, #tpu.memory_space<vmem>>, vector<1x256x128xf32>
    %get3A_8 = vector.shape_cast %get3A_7 : vector<1x256x128xf32> to vector<256x128xf32>
    %add3A = arith.addf %get3A_3, %get3A_8 : vector<256x128xf32>
    %get3A_9 = arith.constant 0 : index
    %get3A_10 = arith.constant 0 : index
    %get3A_11 = arith.constant 0 : index
    %get3A_12 = vector.load %arg2[%get3A_9, %get3A_10, %get3A_11] : memref<2x16x256xf32, #tpu.memory_space<vmem>>, vector<2x16x256xf32>
    %reshape3A = vector.shape_cast %get3A_12 : vector<2x16x256xf32> to vector<32x256xf32>
    %reduce_sum3A = arith.constant dense<0.000000e+00> : vector<256xf32>
    %reduce_sum3A_13 = vector.multi_reduction <add>, %reshape3A, %reduce_sum3A [0] : vector<32x256xf32> to vector<256xf32>
    %max3A = arith.constant 1.000000e+00 : f32
    %max3A_14 = vector.broadcast %max3A : f32 to vector<256xf32>
    %max3A_15 = arith.maximumf %reduce_sum3A_13, %max3A_14 : vector<256xf32>
    %div3A = arith.constant 1.000000e+00 : f32
    %div3A_16 = vector.broadcast %div3A : f32 to vector<256xf32>
    %div3A_17 = arith.divf %div3A_16, %max3A_15 : vector<256xf32>
    %broadcast_in_dim3A = vector.shape_cast %div3A_17 : vector<256xf32> to vector<256x1xf32>
    %mul3A = vector.broadcast %broadcast_in_dim3A : vector<256x1xf32> to vector<256x128xf32>
    %mul3A_18 = arith.mulf %add3A, %mul3A : vector<256x128xf32>
    %get3A_19 = arith.constant 0 : index
    %get3A_20 = arith.constant 0 : index
    %get3A_21 = vector.load %arg4[%get3A_19, %get3A_20] : memref<128x128xf32, #tpu.memory_space<vmem>>, vector<128x128xf32>
    %dot_general3A = arith.constant dense<0.000000e+00> : vector<256x128xf32>
    %dot_general3A_22 = tpu.matmul %mul3A_18, %get3A_21, %dot_general3A {dimension_numbers = #tpu.dot_dimension_numbers<[1], [1], [0], [0], [0, 0, 1, 0], [], []>, transpose_lhs_hint = false} : vector<256x128xf32>, vector<128x128xf32>, vector<256x128xf32> -> vector<256x128xf32>
    %get3A_23 = arith.constant 0 : index
    %get3A_24 = arith.constant 0 : index
    %get3A_25 = vector.load %arg3[%get3A_23, %get3A_24] : memref<256x128xf32, #tpu.memory_space<vmem>>, vector<256x128xf32>
    %get3A_26 = arith.constant 0 : index
    %get3A_27 = arith.constant 0 : index
    %get3A_28 = vector.load %arg5[%get3A_26, %get3A_27] : memref<128x128xf32, #tpu.memory_space<vmem>>, vector<128x128xf32>
    %dot_general3A_29 = arith.constant dense<0.000000e+00> : vector<256x128xf32>
    %dot_general3A_30 = tpu.matmul %get3A_25, %get3A_28, %dot_general3A_29 {dimension_numbers = #tpu.dot_dimension_numbers<[1], [1], [0], [0], [0, 0, 1, 0], [], []>, transpose_lhs_hint = false} : vector<256x128xf32>, vector<128x128xf32>, vector<256x128xf32> -> vector<256x128xf32>
    %add3A_31 = arith.addf %dot_general3A_22, %dot_general3A_30 : vector<256x128xf32>
    %get3A_32 = arith.constant 0 : index
    %get3A_33 = arith.constant 0 : index
    %get3A_34 = vector.load %arg6[%get3A_32, %get3A_33] : memref<1x128xf32, #tpu.memory_space<vmem>>, vector<1x128xf32>
    %add3A_35 = vector.broadcast %get3A_34 : vector<1x128xf32> to vector<256x128xf32>
    %add3A_36 = arith.addf %add3A_31, %add3A_35 : vector<256x128xf32>
    %max3A_37 = arith.constant 0.000000e+00 : f32
    %max3A_38 = vector.broadcast %max3A_37 : f32 to vector<256x128xf32>
    %max3A_39 = arith.maximumf %add3A_36, %max3A_38 : vector<256x128xf32>
    %swap3A = arith.constant 0 : index
    %swap3A_40 = arith.constant 0 : index
    %swap3A_41 = vector.load %arg7[%swap3A, %swap3A_40] : memref<256x128xf32, #tpu.memory_space<vmem>>, vector<256x128xf32>
    tpu.vector_store %arg7[%swap3A, %swap3A_40], %max3A_39 {strides = array<i32>} : memref<256x128xf32, #tpu.memory_space<vmem>>, vector<256x128xf32>,
    return
  }
  func.func @transform_0(%arg0: i32) -> (i32, i32, i32) {
    %c0_i32 = arith.constant 0 : i32
    %c0_i32_0 = arith.constant 0 : i32
    %c0_i32_1 = arith.constant 0 : i32
    return %c0_i32, %arg0, %c0_i32_0 : i32, i32, i32
  }
  func.func @transform_1(%arg0: i32) -> (i32, i32, i32) {
    %c0_i32 = arith.constant 0 : i32
    %c0_i32_0 = arith.constant 0 : i32
    %c0_i32_1 = arith.constant 0 : i32
    return %c0_i32, %c0_i32_0, %arg0 : i32, i32, i32
  }
  func.func @transform_2(%arg0: i32) -> (i32, i32) {
    %c0_i32 = arith.constant 0 : i32
    %c0_i32_0 = arith.constant 0 : i32
    return %arg0, %c0_i32 : i32, i32
  }
  func.func @transform_3(%arg0: i32) -> (i32, i32) {
    %c0_i32 = arith.constant 0 : i32
    %c0_i32_0 = arith.constant 0 : i32
    %c0_i32_1 = arith.constant 0 : i32
    return %c0_i32, %c0_i32_0 : i32, i32
  }
  func.func @transform_4(%arg0: i32) -> (i32, i32) {
    %c0_i32 = arith.constant 0 : i32
    %c0_i32_0 = arith.constant 0 : i32
    %c0_i32_1 = arith.constant 0 : i32
    return %c0_i32, %c0_i32_0 : i32, i32
  }
  func.func @transform_5(%arg0: i32) -> (i32, i32) {
    %c0_i32 = arith.constant 0 : i32
    %c0_i32_0 = arith.constant 0 : i32
    %c0_i32_1 = arith.constant 0 : i32
    return %c0_i32, %c0_i32_0 : i32, i32
  }
  func.func @transform_6(%arg0: i32) -> (i32, i32) {
    %c0_i32 = arith.constant 0 : i32
    %c0_i32_0 = arith.constant 0 : i32
    return %arg0, %c0_i32 : i32, i32
  }
}

module attributes {stable_mosaic.version = 14 : i64} {
  func.func @_tc_layer2_body(%arg0: i32, %arg1: memref<2x256x128xf32, #tpu.memory_space<vmem>>, %arg2: memref<2x16x256xf32, #tpu.memory_space<vmem>>, %arg3: memref<256x128xf32, #tpu.memory_space<vmem>>, %arg4: memref<128x128xf32, #tpu.memory_space<vmem>>, %arg5: memref<128x128xf32, #tpu.memory_space<vmem>>, %arg6: memref<1x128xf32, #tpu.memory_space<vmem>>, %arg7: memref<128x128xf32, #tpu.memory_space<vmem>>, %arg8: memref<1x128xf32, #tpu.memory_space<vmem>>, %arg9: memref<256x128xf32, #tpu.memory_space<vmem>>, %arg10: memref<256x128xf32, #tpu.memory_space<vmem>>) attributes {dimension_semantics = [#tpu.dimension_semantics<arbitrary>], iteration_bounds = array<i64: 40>, scalar_prefetch = 0 : i64, scratch_operands = 0 : i64, tpu.core_type = #tpu.core_type<tc>, window_params = [{transform_indices = @transform_0, window_bounds = array<i64: 2, 256, 128>}, {transform_indices = @transform_1, window_bounds = array<i64: 2, 16, 256>}, {transform_indices = @transform_2, window_bounds = array<i64: 256, 128>}, {pipeline_mode = #tpu.pipeline_mode<synchronous>, transform_indices = @transform_3, window_bounds = array<i64: 128, 128>}, {pipeline_mode = #tpu.pipeline_mode<synchronous>, transform_indices = @transform_4, window_bounds = array<i64: 128, 128>}, {pipeline_mode = #tpu.pipeline_mode<synchronous>, transform_indices = @transform_5, window_bounds = array<i64: 1, 128>}, {pipeline_mode = #tpu.pipeline_mode<synchronous>, transform_indices = @transform_6, window_bounds = array<i64: 128, 128>}, {pipeline_mode = #tpu.pipeline_mode<synchronous>, transform_indices = @transform_7, window_bounds = array<i64: 1, 128>}, {transform_indices = @transform_8, window_bounds = array<i64: 256, 128>}, {transform_indices = @transform_9, window_bounds = array<i64: 256, 128>}]} {
    %get3A = arith.constant 0 : index
    %get3A_0 = arith.constant 0 : index
    %get3A_1 = arith.constant 0 : index
    %get3A_2 = vector.load %arg1[%get3A, %get3A_0, %get3A_1] : memref<2x256x128xf32, #tpu.memory_space<vmem>>, vector<1x256x128xf32>
    %get3A_3 = vector.shape_cast %get3A_2 : vector<1x256x128xf32> to vector<256x128xf32>
    %get3A_4 = arith.constant 1 : index
    %get3A_5 = arith.constant 0 : index
    %get3A_6 = arith.constant 0 : index
    %get3A_7 = vector.load %arg1[%get3A_4, %get3A_5, %get3A_6] : memref<2x256x128xf32, #tpu.memory_space<vmem>>, vector<1x256x128xf32>
    %get3A_8 = vector.shape_cast %get3A_7 : vector<1x256x128xf32> to vector<256x128xf32>
    %add3A = arith.addf %get3A_3, %get3A_8 : vector<256x128xf32>
    %get3A_9 = arith.constant 0 : index
    %get3A_10 = arith.constant 0 : index
    %get3A_11 = arith.constant 0 : index
    %get3A_12 = vector.load %arg2[%get3A_9, %get3A_10, %get3A_11] : memref<2x16x256xf32, #tpu.memory_space<vmem>>, vector<2x16x256xf32>
    %reshape3A = vector.shape_cast %get3A_12 : vector<2x16x256xf32> to vector<32x256xf32>
    %reduce_sum3A = arith.constant dense<0.000000e+00> : vector<256xf32>
    %reduce_sum3A_13 = vector.multi_reduction <add>, %reshape3A, %reduce_sum3A [0] : vector<32x256xf32> to vector<256xf32>
    %max3A = arith.constant 1.000000e+00 : f32
    %max3A_14 = vector.broadcast %max3A : f32 to vector<256xf32>
    %max3A_15 = arith.maximumf %reduce_sum3A_13, %max3A_14 : vector<256xf32>
    %div3A = arith.constant 1.000000e+00 : f32
    %div3A_16 = vector.broadcast %div3A : f32 to vector<256xf32>
    %div3A_17 = arith.divf %div3A_16, %max3A_15 : vector<256xf32>
    %broadcast_in_dim3A = vector.shape_cast %div3A_17 : vector<256xf32> to vector<256x1xf32>
    %mul3A = vector.broadcast %broadcast_in_dim3A : vector<256x1xf32> to vector<256x128xf32>
    %mul3A_18 = arith.mulf %add3A, %mul3A : vector<256x128xf32>
    %get3A_19 = arith.constant 0 : index
    %get3A_20 = arith.constant 0 : index
    %get3A_21 = vector.load %arg4[%get3A_19, %get3A_20] : memref<128x128xf32, #tpu.memory_space<vmem>>, vector<128x128xf32>
    %dot_general3A = arith.constant dense<0.000000e+00> : vector<256x128xf32>
    %dot_general3A_22 = tpu.matmul %mul3A_18, %get3A_21, %dot_general3A {dimension_numbers = #tpu.dot_dimension_numbers<[1], [1], [0], [0], [0, 0, 1, 0], [], []>, transpose_lhs_hint = false} : vector<256x128xf32>, vector<128x128xf32>, vector<256x128xf32> -> vector<256x128xf32>
    %get3A_23 = arith.constant 0 : index
    %get3A_24 = arith.constant 0 : index
    %get3A_25 = vector.load %arg3[%get3A_23, %get3A_24] : memref<256x128xf32, #tpu.memory_space<vmem>>, vector<256x128xf32>
    %get3A_26 = arith.constant 0 : index
    %get3A_27 = arith.constant 0 : index
    %get3A_28 = vector.load %arg5[%get3A_26, %get3A_27] : memref<128x128xf32, #tpu.memory_space<vmem>>, vector<128x128xf32>
    %dot_general3A_29 = arith.constant dense<0.000000e+00> : vector<256x128xf32>
    %dot_general3A_30 = tpu.matmul %get3A_25, %get3A_28, %dot_general3A_29 {dimension_numbers = #tpu.dot_dimension_numbers<[1], [1], [0], [0], [0, 0, 1, 0], [], []>, transpose_lhs_hint = false} : vector<256x128xf32>, vector<128x128xf32>, vector<256x128xf32> -> vector<256x128xf32>
    %add3A_31 = arith.addf %dot_general3A_22, %dot_general3A_30 : vector<256x128xf32>
    %get3A_32 = arith.constant 0 : index
    %get3A_33 = arith.constant 0 : index
    %get3A_34 = vector.load %arg6[%get3A_32, %get3A_33] : memref<1x128xf32, #tpu.memory_space<vmem>>, vector<1x128xf32>
    %add3A_35 = vector.broadcast %get3A_34 : vector<1x128xf32> to vector<256x128xf32>
    %add3A_36 = arith.addf %add3A_31, %add3A_35 : vector<256x128xf32>
    %max3A_37 = arith.constant 0.000000e+00 : f32
    %max3A_38 = vector.broadcast %max3A_37 : f32 to vector<256x128xf32>
    %max3A_39 = arith.maximumf %add3A_36, %max3A_38 : vector<256x128xf32>
    %swap3A = arith.constant 0 : index
    %swap3A_40 = arith.constant 0 : index
    %swap3A_41 = vector.load %arg9[%swap3A, %swap3A_40] : memref<256x128xf32, #tpu.memory_space<vmem>>, vector<256x128xf32>
    tpu.vector_store %arg9[%swap3A, %swap3A_40], %max3A_39 {strides = array<i32>} : memref<256x128xf32, #tpu.memory_space<vmem>>, vector<256x128xf32>,
    %get3A_42 = arith.constant 0 : index
    %get3A_43 = arith.constant 0 : index
    %get3A_44 = vector.load %arg7[%get3A_42, %get3A_43] : memref<128x128xf32, #tpu.memory_space<vmem>>, vector<128x128xf32>
    %dot_general3A_45 = arith.constant dense<0.000000e+00> : vector<256x128xf32>
    %dot_general3A_46 = tpu.matmul %max3A_39, %get3A_44, %dot_general3A_45 {dimension_numbers = #tpu.dot_dimension_numbers<[1], [1], [0], [0], [0, 0, 1, 0], [], []>, transpose_lhs_hint = false} : vector<256x128xf32>, vector<128x128xf32>, vector<256x128xf32> -> vector<256x128xf32>
    %get3A_47 = arith.constant 0 : index
    %get3A_48 = arith.constant 0 : index
    %get3A_49 = vector.load %arg8[%get3A_47, %get3A_48] : memref<1x128xf32, #tpu.memory_space<vmem>>, vector<1x128xf32>
    %add3A_50 = vector.broadcast %get3A_49 : vector<1x128xf32> to vector<256x128xf32>
    %add3A_51 = arith.addf %dot_general3A_46, %add3A_50 : vector<256x128xf32>
    %swap3A_52 = arith.constant 0 : index
    %swap3A_53 = arith.constant 0 : index
    %swap3A_54 = vector.load %arg10[%swap3A_52, %swap3A_53] : memref<256x128xf32, #tpu.memory_space<vmem>>, vector<256x128xf32>
    tpu.vector_store %arg10[%swap3A_52, %swap3A_53], %add3A_51 {strides = array<i32>} : memref<256x128xf32, #tpu.memory_space<vmem>>, vector<256x128xf32>,
    return
  }
  func.func @transform_0(%arg0: i32) -> (i32, i32, i32) {
    %c0_i32 = arith.constant 0 : i32
    %c0_i32_0 = arith.constant 0 : i32
    %c0_i32_1 = arith.constant 0 : i32
    return %c0_i32, %arg0, %c0_i32_0 : i32, i32, i32
  }
  func.func @transform_1(%arg0: i32) -> (i32, i32, i32) {
    %c0_i32 = arith.constant 0 : i32
    %c0_i32_0 = arith.constant 0 : i32
    %c0_i32_1 = arith.constant 0 : i32
    return %c0_i32, %c0_i32_0, %arg0 : i32, i32, i32
  }
  func.func @transform_2(%arg0: i32) -> (i32, i32) {
    %c0_i32 = arith.constant 0 : i32
    %c0_i32_0 = arith.constant 0 : i32
    return %arg0, %c0_i32 : i32, i32
  }
  func.func @transform_3(%arg0: i32) -> (i32, i32) {
    %c0_i32 = arith.constant 0 : i32
    %c0_i32_0 = arith.constant 0 : i32
    %c0_i32_1 = arith.constant 0 : i32
    return %c0_i32, %c0_i32_0 : i32, i32
  }
  func.func @transform_4(%arg0: i32) -> (i32, i32) {
    %c0_i32 = arith.constant 0 : i32
    %c0_i32_0 = arith.constant 0 : i32
    %c0_i32_1 = arith.constant 0 : i32
    return %c0_i32, %c0_i32_0 : i32, i32
  }
  func.func @transform_5(%arg0: i32) -> (i32, i32) {
    %c0_i32 = arith.constant 0 : i32
    %c0_i32_0 = arith.constant 0 : i32
    %c0_i32_1 = arith.constant 0 : i32
    return %c0_i32, %c0_i32_0 : i32, i32
  }
  func.func @transform_6(%arg0: i32) -> (i32, i32) {
    %c0_i32 = arith.constant 0 : i32
    %c0_i32_0 = arith.constant 0 : i32
    %c0_i32_1 = arith.constant 0 : i32
    return %c0_i32, %c0_i32_0 : i32, i32
  }
  func.func @transform_7(%arg0: i32) -> (i32, i32) {
    %c0_i32 = arith.constant 0 : i32
    %c0_i32_0 = arith.constant 0 : i32
    %c0_i32_1 = arith.constant 0 : i32
    return %c0_i32, %c0_i32_0 : i32, i32
  }
  func.func @transform_8(%arg0: i32) -> (i32, i32) {
    %c0_i32 = arith.constant 0 : i32
    %c0_i32_0 = arith.constant 0 : i32
    return %arg0, %c0_i32 : i32, i32
  }
  func.func @transform_9(%arg0: i32) -> (i32, i32) {
    %c0_i32 = arith.constant 0 : i32
    %c0_i32_0 = arith.constant 0 : i32
    return %arg0, %c0_i32 : i32, i32
  }
}

</mosaic_0001>

<sc_bundles>
// kernel: kernel.6.cloned.1.call-start
scs
__scs_entry_jumppad:
0x0: {  	(pc) =	sbr.rel $0x88, $3  }
0x1: {  	(tag) =	ssettag $0x0;
	lr =	simm.s32 $0x1  }
0x2: {  	[smem:$0x3F97] =	sst lr;
	_ =	strace $0xD0000000  }
0x3: {  	_ = 	snop  }
0x4: {  	_ = 	snop  }
0x5: {  	_ = 	snop  }
0x6: {  	_ = 	snop  }
0x7: {  	_ = 	snop  }
__scs_overlays_trampoline_lowered:
0x8: {  	[smem:$0x3FA6] =	sst s0  }
0x9: {  	[smem:$0x3FA7] =	sst s1  }
0xa: {  	[smem:$0x3FA8] =	sst s2  }
0xb: {  	[smem:$0x3FA9] =	sst s3  }
0xc: {  	[smem:$0x3FAA] =	sst s4  }
0xd: {  	[smem:$0x3FAB] =	sst s5  }
0xe: {  	[smem:$0x3FAC] =	sst s6  }
0xf: {  	[smem:$0x3FAD] =	sst s7  }
0x10: {  	[smem:$0x3FAE] =	sst s8  }
0x11: {  	[smem:$0x3FAF] =	sst s9;
	s0 =	simm.s32 @!p0 $0x0  }
0x12: {  	s1 =	sld [smem:$0x3F95];
	s0 =	simm.s32 @p0 $0x1  }
0x13: {  	[smem:$0x3FB0] =	sst s0;
	s0 =	simm.s32 @!p1 $0x0  }
0x14: {  	s2 =	sld [smem:$0x3F94];
	s0 =	simm.s32 @p1 $0x1  }
0x15: {  	[smem:$0x3FB1] =	sst s0;
	s0 =	simm.s32 @!p2 $0x0  }
0x16: {  	s3 =	sld [smem:$0x3FDB];
	s0 =	simm.s32 @p2 $0x1  }
0x17: {  	s4 =	simm.s32 $0x1BF5;
	[smem:$0x3FB3] =	sst s0  }
0x18: {  	s0 =	sld [smem:$0x3F96];
	_ =	swait.ge [sflag:s4], $0x0  }
0x19: {  	s7 =	sld [smem:$0x3F97]  }
0x1a: {  	s8 =	sadd.s32 $0xFFFFE003, lr  }
0x1b: {  	s9 =	sadd.s32 $0xFFFFFEF7, lr;
	s5 =	simm.s32 $0xFFFFFFFF;
	p2 =	slt.u32 s8, $0xFFFFF086  }
0x1c: {  	p1 =	slt.u32 s9, $0xF7A;
	s5 =	simm.s32 @!p2 $0x0  }
0x1d: {  	s5 =	simm.s32 @p1 $0x1;
	p0 =	seq.s32 s7, s2  }
0x1e: {  	s7 =	smul.u32 @!p0 $0xF7A, s2;
	p2 =	seq.s32 @!p0 s5, $0x0  }
0x1f: {  	s9 =	smul.u32 $0xF7A, s1;
	s8 =	simm.s32 @!p0 $0x1BF5;
	p2 =	por !p2, p0  }
0x20: {  	[sflag:s8] =	ssyncset.s32 @!p0 $0xFFFFF086;
	s6 =	sadd.s32 @!p0 s3, s7;
	s7 =	simm.s32 @!p0 $0x108  }
0x21: {  	s3 =	sadd.s32 s3, s9;
	s6 =	sadd.s32 @!p0 $0x88, s6;
	s7 =	simm.s32 @p2 $0x1082  }
0x22: {  	[simem:s7], [sflag:s8] =	dma.local @!p0 [hbm:s6], $0xF7A  }
0x23: {  	s9 =	sor.u32 $0xD0000000, s2;
	s6 =	simm.s32 $0x108;
	_ =	swait.ge @!p0 [sflag:s8], $0x0  }
0x24: {  	s3 =	sadd.s32 $0x88, s3;
	s6 =	simm.s32 @!p1 $0x1082;
	[sflag:s4] =	ssyncset.s32 $0xFFFFF086  }
0x25: {  	[simem:s6], [sflag:s4] =	dma.local [hbm:s3], $0xF7A  }
0x26: {  	[smem:$0x3F97] =	sst s1;
	(tag) =	ssettag s2;
	_ =	strace s9  }
0x27: {  	s1 =	sld [smem:$0x3FA7]  }
0x28: {  	s2 =	sld [smem:$0x3FA8]  }
0x29: {  	s4 =	sld [smem:$0x3FAA]  }
0x2a: {  	p0 =	seq.s32 s5, $0x0;
	s5 =	sld [smem:$0x3FAB]  }
0x2b: {  	s6 =	sld [smem:$0x3FAC]  }
0x2c: {  	s7 =	sld [smem:$0x3FAD]  }
0x2d: {  	s3 =	simm.s32 $0x108;
	s8 =	sld [smem:$0x3FAE]  }
0x2e: {  	s3 =	simm.s32 @!p0 $0x1082;
	s9 =	sld [smem:$0x3FAF]  }
0x2f: {  	lr =	sadd.s32 s0, s3;
	s0 =	sld [smem:$0x3FA6]  }
0x30: {  	s3 =	sld [smem:$0x3FA9]  }
0x31: {  	[smem:$0x3FB2] =	sst s10  }
0x32: {  	s10 =	sld [smem:$0x3FB0];
	_ =	sdelay $0x3  }
0x33: {  	p0 =	seq.s32 s10, $0x1;
	s10 =	sld [smem:$0x3FB2];
	_ =	sdelay $0x3  }
0x34: {  	[smem:$0x3FB2] =	sst s10  }
0x35: {  	s10 =	sld [smem:$0x3FB1];
	_ =	sdelay $0x3  }
0x36: {  	p1 =	seq.s32 s10, $0x1;
	s10 =	sld [smem:$0x3FB2];
	_ =	sdelay $0x3  }
0x37: {  	[smem:$0x3FB2] =	sst s10  }
0x38: {  	s10 =	sld [smem:$0x3FB3]  }
0x39: {  	_ = 	snop;
	(pc) =	sbr.ind lr, $3  }
0x3a: {  	_ = 	snop  }
0x3b: {  	_ = 	snop  }
0x3c: {  	p2 =	seq.s32 s10, $0x1;
	s10 =	sld [smem:$0x3FB2]  }
0x3d: {  	_ =	shalt  }
0x3e: {  	_ =	shalt  }
0x3f: {  	_ =	shalt  }
0x40: {  	_ =	shalt  }
0x41: {  	_ =	shalt  }
0x42: {  	_ =	shalt  }
0x43: {  	_ =	shalt  }
0x44: {  	_ =	shalt  }
0x45: {  	_ =	shalt  }
0x46: {  	_ =	shalt  }
0x47: {  	_ =	shalt  }
0x48: {  	_ =	shalt  }
0x49: {  	_ =	shalt  }
0x4a: {  	_ =	shalt  }
0x4b: {  	_ =	shalt  }
0x4c: {  	_ =	shalt  }
0x4d: {  	_ =	shalt  }
0x4e: {  	_ =	shalt  }
0x4f: {  	_ =	shalt  }
0x50: {  	_ =	shalt  }
0x51: {  	_ =	shalt  }
0x52: {  	_ =	shalt  }
0x53: {  	_ =	shalt  }
0x54: {  	_ =	shalt  }
0x55: {  	_ =	shalt  }
0x56: {  	_ =	shalt  }
0x57: {  	_ =	shalt  }
0x58: {  	_ =	shalt  }
0x59: {  	_ =	shalt  }
0x5a: {  	_ =	shalt  }
0x5b: {  	_ =	shalt  }
0x5c: {  	_ =	shalt  }
0x5d: {  	_ =	shalt  }
0x5e: {  	_ =	shalt  }
0x5f: {  	_ =	shalt  }
0x60: {  	_ =	shalt  }
0x61: {  	_ =	shalt  }
0x62: {  	_ =	shalt  }
0x63: {  	_ =	shalt  }
0x64: {  	_ =	shalt  }
0x65: {  	_ =	shalt  }
0x66: {  	_ =	shalt  }
0x67: {  	_ =	shalt  }
0x68: {  	_ =	shalt  }
0x69: {  	_ =	shalt  }
0x6a: {  	_ =	shalt  }
0x6b: {  	_ =	shalt  }
0x6c: {  	_ =	shalt  }
0x6d: {  	_ =	shalt  }
0x6e: {  	_ =	shalt  }
0x6f: {  	_ =	shalt  }
0x70: {  	_ =	shalt  }
0x71: {  	_ =	shalt  }
0x72: {  	_ =	shalt  }
0x73: {  	_ =	shalt  }
0x74: {  	_ =	shalt  }
0x75: {  	_ =	shalt  }
0x76: {  	_ =	shalt  }
0x77: {  	_ =	shalt  }
0x78: {  	_ =	shalt  }
0x79: {  	_ =	shalt  }
0x7a: {  	_ =	shalt  }
0x7b: {  	_ =	shalt  }
0x7c: {  	_ =	shalt  }
0x7d: {  	_ =	shalt  }
0x7e: {  	_ =	shalt  }
0x7f: {  	_ =	shalt  }
0x80: {  	_ =	shalt  }
0x81: {  	_ =	shalt  }
0x82: {  	_ =	shalt  }
0x83: {  	_ =	shalt  }
0x84: {  	_ =	shalt  }
0x85: {  	_ =	shalt  }
0x86: {  	_ =	shalt  }
0x87: {  	_ =	shalt  }
.Lfunc_end0:
.L_simem_size_0:
called_computation_lowered:
.L_overlay_start_0:
0x88: {  	s2 =	sld [smem:$0x3FD9]  }
0x89: {  	s3 =	sld [smem:$0x3FFE];
	_ =	sdelay $0x1  }
0x8a: {  	s1 =	srdreg.scid  }
0x8b: {  	s0 =	sand.u32 $0x1, s1  }
0x8c: {  	s14 =	sshll.u32 s0, $0xA;
	s2 =	sadd.s32 s3, s2  }
0x8d: {  	s2 =	sadd.s32 s2, s14  }
0x8e: {  	[smem:$0x3FBE] =	sst s2  }
0x8f: {  	_ = 	snop  }
0x90: {  	s2 =	sld [smem:$0x3FD0];
	_ =	sdelay $0x2  }
0x91: {  	s15 =	simm.s32 $0xA;
	s4 =	simm.s32 $0x10  }
0x92: {  	[smem:s4], [sflag:s15] =	dma.local [hbm:s2], $0x1  }
0x93: {  	_ =	swait.eq [sflag:s15], $0x1  }
0x94: {  	[sflag:s15] =	ssyncset.done $0x0  }
0x95: {  	[sflag:s15] =	ssyncadd.s32 $0xFFFFFFFF  }
0x96: {  	s16 =	sld [smem:$0x11];
	(tm) =	ssettm $0x1  }
0x97: {  	s17 =	sld [smem:$0x3FFB];
	_ =	sdelay $0x3  }
0x98: {  	_ =	strace s17  }
0x99: {  	s3 =	sld [smem:$0x3FFC];
	_ =	sdelay $0x3  }
0x9a: {  	_ =	strace s3  }
0x9b: {  	s3 =	sld [smem:$0x3FFD];
	_ =	sdelay $0x3  }
0x9c: {  	_ =	strace s3  }
0x9d: {  	_ =	strace $0x8FFFFFFF  }
0x9e: {  	s18 =	sld [smem:$0x3FDB];
	_ =	sdelay $0x1  }
0x9f: {  	s19 =	simm.s32 $_scs_section_size  }
0xa0: {  	s5 =	simm.s32 $_size__tile_overlayer_lowered;
	s6 =	simm.s32 $_tile_overlayer_lowered  }
0xa1: {  	s22 =	simm.s32 $0x1BFF;
	s21 =	sshll.u32 s6, $0x1;
	s3 =	sadd.s32 s19, s18  }
0xa2: {  	s7 =	simm.s32 $0x0;
	s20 =	sshll.u32 s5, $0x1;
	s5 =	sadd.s32 s21, s3  }
0xa3: {  	[timem:s7], [sflag:s22] =	dma.local [hbm:s5], s20  }
0xa4: {  	_ =	swait.ge [sflag:s22], s20  }
0xa5: {  	s4 =	ssub.s32 $0x0, s20;
	[sflag:s22] =	ssyncset.done $0x0  }
0xa6: {  	[sflag:s22] =	ssyncadd.s32 s4;
	_ =	sdelay $0x1  }
0xa7: {  	s23 =	simm.s32 $0x1B8B  }
0xa8: {  	_ =	swait.ge [sflag:s23], $0x1  }
0xa9: {  	[sflag:s23] =	ssyncset.done $0x0  }
0xaa: {  	s25 =	simm.s32 $0x1B8E;
	s24 =	sld [smem:$0x3FFE];
	[sflag:s23] =	ssyncadd.s32 $0xFFFFFFFF  }
0xab: {  	s26 =	simm.s32 $execute0_lowered;
	[smem:$0x3FD2] =	sst s25  }
0xac: {  	s5 =	sshll.u32 s26, $0x1;
	_ =	strace $0x80000046;
	[dreg:$0x1] =	wrdreg $0xFFFFFFFF  }
0xad: {  	s28 =	simm.s32 $_size_execute0_lowered;
	s3 =	sadd.s32 s3, s5;
	[dreg:$0x0] =	wrdreg $0x0  }
0xae: {  	s5 =	sshll.u32 s28, $0x1;
	[dreg:$0x2] =	wrdreg s3  }
0xaf: {  	[dreg:$0x3] =	wrdreg s5  }
0xb0: {  	[dreg:$0x4] =	wrdreg $0xC0  }
0xb1: {  	_ =	task [dreg:s7], $0x5FFFF  }
0xb2: {  	[dreg:$0x1] =	wrdreg $0xFFFFFFFF  }
0xb3: {  	[dreg:$0x0] =	wrdreg $0x60  }
0xb4: {  	[dreg:$0x2] =	wrdreg s24  }
0xb5: {  	[dreg:$0x3] =	wrdreg s16  }
0xb6: {  	[dreg:$0x4] =	wrdreg $0xBB000  }
0xb7: {  	[dreg:$0x5] =	wrdreg $0x9  }
0xb8: {  	_ =	task.clear_ibuf [dreg:s7], $0x6FFFF;
	_ =	strace $0x90000046  }
0xb9: {  	s29 =	simm.s32 $0x9;
	_ =	strace $0x80000048  }
0xba: {  	_ =	swait.ge [sflag:s29], $0x1  }
0xbb: {  	[sflag:s29] =	ssyncadd.s32 $0xFFFFFFFF  }
0xbc: {  	_ =	strace $0x90000048  }
0xbd: {  	_ =	sfence  }
0xbe: {  	s30 =	sld [smem:$0x0];
	_ =	sdelay $0x2  }
0xbf: {  	s31 =	sshll.u32 s1, $0xD;
	s1 =	sshrl.u32 s1, $0x2  }
0xc0: {  	s3 =	sand.u32 $0x4000, s31;
	s1 =	sadd.s32 s1, s30  }
0xc1: {  	s0 =	sor.u32 s3, s0;
	s1 =	sshll.u32 s1, $0x11  }
0xc2: {  	s0 =	sor.u32 s1, s0  }
0xc3: {  	s0 =	sadd.s32 $0x8F2B, s0  }
0xc4: {  	[sflag:s0] =	ssyncadd.remote.s32 $0x1  }
0xc5: {  	_ =	sfence.sel $0xFFFF  }
0xc6: {  	[dreg:$0x0] =	wrdreg $0xFFFFFFFF;
	(pc) =	sbr.abs _section_cstart, $3  }
0xc7: {  	[dreg:$0x1] =	wrdreg $0xFFFFFFFF  }
0xc8: {  	_ =	task.clear_ibuf [dreg:s7], $0x2FFFF;
	_ =	strace $0x9FFFFFFF  }
0xc9: {  	(tm) =	ssettm $0x7FFFFFFF  }
tec
execute0_lowered:
.L_overlay_start_1:
0x0: {  	(tag) =	ssettag $0x1  }
0x1: {  	s0 =	srdreg.scid;
	s1 =	rddreg [dreg:$0x0]  }
0x2: {  	s21 =	stileid.u32;
	s2 =	rddreg [dreg:$0x1]  }
0x3: {  	s3 =	rddreg [dreg:$0x2];
	s28 =	simm.s32 $0x1;
	s8 =	smul.u32 $0x50000, s21  }
0x4: {  	s29 =	simm.s32 $0x200;
	s30 =	simm.s32 $0x9300;
	s12 =	smul.u32 $0x14000, s21  }
0x5: {  	s31 =	simm.s32 $0x4;
	s0 =	sand.u32 $0x1, s0;
	s23 =	smul.u32 $0x9C40, s21  }
0x6: {  	s4 =	sshrl.u32 s21, $0x3;
	s7 =	sshll.u32 s21, $0x7;
	s5 =	smul.u32 $0x28000, s0  }
0x7: {  	s11 =	sadd.s32 $0x2A400, s1;
	s26 =	sshll.u32 s21, $0x1;
	s6 =	smul.u32 $0x14000, s4  }
0x8: {  	s4 =	simm.s32 $0x0;
	s24 =	sand.u32 $0x380, s7;
	s20 =	smul.u32 $0x140000, s0  }
0x9: {  	s25 =	ssub.s32 $0x2, s0;
	s7 =	sor.u32 s0, s26;
	s0 =	smul.u32 $0x4E20, s0  }
0xa: {  	[smem:$0x7FF] =	sst s4;
	s9 =	sshrl.u32 s25, $0x1;
	s13 =	smul.u32 $0x4E20, s7  }
0xb: {  	s10 =	sshrl.u32 s8, $0x2;
	s15 =	sadd.s32 $0x4000, s12;
	s16 =	sadd.s32 $0x8000, s12  }
0xc: {  	s17 =	sadd.s32 $0xC000, s12;
	s18 =	sadd.s32 $0x10000, s12;
	s5 =	sadd.s32 s5, s6  }
0xd: {  	_ =	strace $0x80000047;
	s14 =	ssub.s32 s25, s9;
	s7 =	sadd.s32 s15, s3  }
0xe: {  	s8 =	sadd.s32 s16, s3;
	s9 =	sadd.s32 s17, s3;
	s12 =	sadd.s32 s12, s20  }
0xf: {  	s15 =	sadd.s32 s20, s15;
	s22 =	sadd.s32 s20, s17;
	s0 =	sadd.s32 s0, s23  }
0x10: {  	s23 =	simm.s32 $0x5;
	s5 =	sor.u32 s24, s5;
	s19 =	sshrl.u32 s13, $0x3  }
0x11: {  	s13 =	sadd.s32 $0x1E0, s13;
	s12 =	sshrl.u32 s12, $0x3;
	s15 =	sshrl.u32 s15, $0x3  }
0x12: {  	s24 =	sadd.s32 s20, s18;
	s6 =	sshrl.u32 s5, $0x3;
	s5 =	sadd.s32 $0x2400, s1  }
0x13: {  	s19 =	sadd.s32 s2, s19;
	s12 =	sadd.s32 s11, s12;
	s15 =	sadd.s32 s11, s15  }
0x14: {  	s26 =	sshrl.u32 s24, $0x3;
	s24 =	simm.s32 $0x100;
	[dreg:$0x4] =	wrdreg s19  }
0x15: {  	s1 =	sadd.s32 s6, s1;
	s6 =	sadd.s32 s10, s3;
	[dreg:$0x6] =	wrdreg s12  }
0x16: {  	s10 =	sadd.s32 s18, s3;
	s19 =	sadd.s32 $0x14, s19;
	[dreg:$0x7] =	wrdreg s15  }
0x17: {  	s15 =	sshrl.u32 s22, $0x3;
	s22 =	simm.s32 $0x5300;
	[dreg:$0x5] =	wrdreg s19  }
0x18: {  	s19 =	sadd.s32 s20, s16;
	s25 =	sadd.s32 s11, s15;
	s20 =	smax.u32 s14, $0x1  }
0x19: {  	s16 =	sadd.s32 $0x140, s0;
	s0 =	simm.s32 $0x2;
	s14 =	simm.s32 $0x3  }
0x1a: {  	s15 =	simm.s32 $0x0;
	s12 =	sshrl.u32 s19, $0x3;
	[dreg:$0x9] =	wrdreg s25  }
0x1b: {  	s19 =	sadd.s32 $0x7A400, s1;
	s25 =	simm.s32 $0x50;
	s12 =	sadd.s32 s11, s12  }
0x1c: {  	s1 =	simm.s32 $0x2B00;
	s11 =	sadd.s32 s11, s26;
	[dreg:$0x8] =	wrdreg s12  }
0x1d: {  	v0 =	vimm.f32 $0.0e+00;
	v1 =	vimm.f32 $1.000000000e+00;
	s26 =	simm.s32 $0x300;
	[dreg:$0xa] =	wrdreg s11;
	s12 =	simm.s32 $0x280  }
.LBB2_1:
0x1e: {  	s11 =	sand.u32 $0xFE00, s4  }
0x1f: {  	s17 =	sand.u32 $0x70, s4;
	s21 =	sshrl.u32 s11, $0x2  }
0x20: {  	s11 =	simm.s32 $0x40;
	s17 =	sor.u32 s17, s21;
	s21 =	simm.s32 $0x0  }
.LBB2_2:
0x21: {  	p0 =	sne.s32 s11, $0xFFC0  }
0x22: {  	[tilespmem:s17+$0x5300] =	vst v0;
	s21 =	sadd.s32 $0x10, s21;
	s17 =	smov.u32 s11;
	s11 =	sadd.s32 $0x40, s11  }
.Ltmp0:
0x23: {  	(pc) =	sbr.rel @p0 .LBB2_2-.Ltmp0, $4  }
0x24: {  	_ = 	snop  }
0x25: {  	s17 =	sand.u32 $0xFE00, s17  }
0x26: {  	s18 =	sand.u32 $0x70, s21;
	s17 =	sshrl.u32 s17, $0x2  }
0x27: {  	s17 =	sor.u32 s18, s17  }
0x28: {  	[tilespmem:s17+$0x5300] =	vst v0  }
0x29: {  	[spmem:s6] =	stream.linear.scatter [tilespmem:s22], [sflag:$0x5], $0x4000, $0x38;
	[tilespmem:$0x1FB00] =	vst v63  }
0x2a: {  	_ =	swait.ge [sflag:s23], $0x4000  }
0x2b: {  	[sflag:s23] =	ssyncset.done $0x0  }
0x2c: {  	[sflag:s23] =	ssyncadd.s32 $0xFFFFC000  }
0x2d: {  	[spmem:s7] =	stream.linear.scatter [tilespmem:s22], [sflag:$0x5], $0x4000, $0x38;
	[tilespmem:$0x1FB00] =	vst v63  }
0x2e: {  	_ =	swait.ge [sflag:s23], $0x4000  }
0x2f: {  	[sflag:s23] =	ssyncset.done $0x0  }
0x30: {  	[sflag:s23] =	ssyncadd.s32 $0xFFFFC000  }
0x31: {  	[spmem:s8] =	stream.linear.scatter [tilespmem:s22], [sflag:$0x5], $0x4000, $0x38;
	[tilespmem:$0x1FB00] =	vst v63  }
0x32: {  	_ =	swait.ge [sflag:s23], $0x4000  }
0x33: {  	[sflag:s23] =	ssyncset.done $0x0  }
0x34: {  	[sflag:s23] =	ssyncadd.s32 $0xFFFFC000  }
0x35: {  	[spmem:s9] =	stream.linear.scatter [tilespmem:s22], [sflag:$0x5], $0x4000, $0x38;
	[tilespmem:$0x1FB00] =	vst v63  }
0x36: {  	_ =	swait.ge [sflag:s23], $0x4000  }
0x37: {  	[sflag:s23] =	ssyncset.done $0x0  }
0x38: {  	[sflag:s23] =	ssyncadd.s32 $0xFFFFC000  }
0x39: {  	[spmem:s10] =	stream.linear.scatter [tilespmem:s22], [sflag:$0x5], $0x4000, $0x38;
	[tilespmem:$0x1FB00] =	vst v63  }
0x3a: {  	_ =	swait.ge [sflag:s23], $0x4000  }
0x3b: {  	[sflag:s23] =	ssyncset.done $0x0  }
0x3c: {  	s11 =	simm.s32 $0x40;
	s17 =	simm.s32 $0x0;
	[sflag:s23] =	ssyncadd.s32 $0xFFFFC000  }
.LBB2_4:
0x3d: {  	p0 =	sne.s32 s11, $0x9FC0;
	[tilespmem:s17+$0x9300] =	vst v0;
	s17 =	smov.u32 s11;
	s11 =	sadd.s32 $0x40, s11  }
.Ltmp1:
0x3e: {  	(pc) =	sbr.rel @p0 .LBB2_4-.Ltmp1, $2  }
0x3f: {  	_ =	sdelay $0x2  }
0x40: {  	s17 =	sshra.s32 s17, $0x2  }
0x41: {  	[tilespmem:s17+$0x9300] =	vst v0  }
0x42: {  	[bflag:$0x0] =	sbarrier.arrive $0xFFFF  }
0x43: {  	s11 =	simm.s32 $0x0;
	s18 =	rddreg [dreg:$0x5]  }
0x44: {  	[tilespmem:s24], [sflag:$0x4] =	stream.linear.gather [hbm4b:s18+s11], $0xA0, $0x38;
	[tilespmem:$0x1FB00] =	vst v63  }
0x45: {  	s21 =	rddreg [dreg:$0x4]  }
0x46: {  	[tilespmem:s11], [sflag:$0x5] =	stream.linear.gather [hbm4b:s21+s11], $0xA0, $0x38;
	[tilespmem:$0x1FB00] =	vst v63  }
0x47: {  	_ =	swait.ge [sflag:s23], $0xA0  }
0x48: {  	[sflag:s23] =	ssyncset.done $0x0  }
0x49: {  	[sflag:s23] =	ssyncadd.s32 $0xFFFFFF60  }
0x4a: {  	v2 =	vld [tilespmem:$0x50]  }
0x4b: {  	v3 =	vld [tilespmem:$0x60]  }
0x4c: {  	v4 =	vld [tilespmem:$0x70]  }
0x4d: {  	v5 =	vld [tilespmem:$0x80]  }
0x4e: {  	v6 =	vld [tilespmem:$0x90]  }
0x4f: {  	[tilespmem:$0x200] =	vst v2  }
0x50: {  	[tilespmem:$0x210] =	vst v3  }
0x51: {  	[tilespmem:$0x220] =	vst v4  }
0x52: {  	[tilespmem:$0x230] =	vst v5  }
0x53: {  	[tilespmem:$0x240] =	vst v6  }
0x54: {  	[tilespmem:s26], [sflag:$0x1] =	stream.indirect.gather [hbm4b:s5+s25], $0x80, s11, s25, $0xb8;
	[tilespmem:$0x1FB00] =	vst v63  }
0x55: {  	_ =	swait.ge [sflag:s28], $0x2800  }
0x56: {  	[sflag:s28] =	ssyncset.done $0x0  }
0x57: {  	[sflag:s28] =	ssyncadd.s32 $0xFFFFD800  }
0x58: {  	[spmem:s3] =	stream.indirect.scatter.add.f32 [tilespmem:s26], [sflag:$0x2], $0x80, s29, s25, $0xb8;
	[tilespmem:$0x1FB00] =	vst v63  }
0x59: {  	v2 =	vld [tilespmem:$0x200];
	_ =	sdelay $0x7  }
0x5a: {  	[tilespmem:v2+s30+$0x0] =	vst.idx.add.f32.msk $0xffff, v1  }
0x5b: {  	v2 =	vld [tilespmem:$0x210];
	_ =	sdelay $0x7  }
0x5c: {  	[tilespmem:v2+s30+$0x0] =	vst.idx.add.f32.msk $0xffff, v1  }
0x5d: {  	v2 =	vld [tilespmem:$0x220];
	_ =	sdelay $0x7  }
0x5e: {  	[tilespmem:v2+s30+$0x0] =	vst.idx.add.f32.msk $0xffff, v1  }
0x5f: {  	v2 =	vld [tilespmem:$0x230];
	_ =	sdelay $0x7  }
0x60: {  	[tilespmem:v2+s30+$0x0] =	vst.idx.add.f32.msk $0xffff, v1  }
0x61: {  	v2 =	vld [tilespmem:$0x240];
	_ =	sdelay $0x7  }
0x62: {  	s21 =	smov.u32 s16;
	[tilespmem:v2+s30+$0x0] =	vst.idx.add.f32.msk $0xffff, v1  }
.LBB2_6:
0x63: {  	_ =	swait.ge [sflag:s31], $0xA0  }
0x64: {  	[sflag:s31] =	ssyncset.done $0x0  }
0x65: {  	[sflag:s31] =	ssyncadd.s32 $0xFFFFFF60  }
0x66: {  	v2 =	vld [tilespmem:$0x150]  }
0x67: {  	v3 =	vld [tilespmem:$0x160]  }
0x68: {  	v4 =	vld [tilespmem:$0x170]  }
0x69: {  	v5 =	vld [tilespmem:$0x180]  }
0x6a: {  	v6 =	vld [tilespmem:$0x190]  }
0x6b: {  	[tilespmem:$0x280] =	vst v2  }
0x6c: {  	[tilespmem:$0x290] =	vst v3  }
0x6d: {  	[tilespmem:$0x2A0] =	vst v4  }
0x6e: {  	[tilespmem:$0x2B0] =	vst v5  }
0x6f: {  	[tilespmem:$0x2C0] =	vst v6  }
0x70: {  	[tilespmem:s1], [sflag:$0x1] =	stream.indirect.gather [hbm4b:s5+s25], $0x80, s24, s25, $0xb8;
	[tilespmem:$0x1FB00] =	vst v63  }
0x71: {  	_ =	swait.ge [sflag:s28], $0x2800  }
0x72: {  	[sflag:s28] =	ssyncset.done $0x0  }
0x73: {  	[sflag:s28] =	ssyncadd.s32 $0xFFFFD800  }
0x74: {  	_ =	swait.ge [sflag:s0], $0x2800  }
0x75: {  	s17 =	sshrl.u32 s21, $0x3;
	[sflag:s0] =	ssyncset.done $0x0  }
0x76: {  	s17 =	sadd.s32 s2, s17;
	[sflag:s0] =	ssyncadd.s32 $0xFFFFD800  }
0x77: {  	[tilespmem:s4], [sflag:$0x3] =	stream.linear.gather [hbm4b:s17+s4], $0xA0, $0x38;
	[tilespmem:$0x1FB00] =	vst v63  }
0x78: {  	_ = 	snop  }
0x79: {  	[spmem:s3] =	stream.indirect.scatter.add.f32 [tilespmem:s1], [sflag:$0x2], $0x80, s12, s25, $0xb8;
	[tilespmem:$0x1FB00] =	vst v63  }
0x7a: {  	v2 =	vld [tilespmem:$0x280];
	_ =	sdelay $0x7  }
0x7b: {  	[tilespmem:v2+s30+$0x0] =	vst.idx.add.f32.msk $0xffff, v1  }
0x7c: {  	v2 =	vld [tilespmem:$0x290];
	_ =	sdelay $0x7  }
0x7d: {  	[tilespmem:v2+s30+$0x0] =	vst.idx.add.f32.msk $0xffff, v1  }
0x7e: {  	v2 =	vld [tilespmem:$0x2A0];
	_ =	sdelay $0x7  }
0x7f: {  	[tilespmem:v2+s30+$0x0] =	vst.idx.add.f32.msk $0xffff, v1  }
0x80: {  	v2 =	vld [tilespmem:$0x2B0];
	_ =	sdelay $0x7  }
0x81: {  	[tilespmem:v2+s30+$0x0] =	vst.idx.add.f32.msk $0xffff, v1  }
0x82: {  	v2 =	vld [tilespmem:$0x2C0];
	_ =	sdelay $0x7  }
0x83: {  	[tilespmem:v2+s30+$0x0] =	vst.idx.add.f32.msk $0xffff, v1  }
0x84: {  	_ =	swait.ge [sflag:s14], $0xA0  }
0x85: {  	[sflag:s14] =	ssyncset.done $0x0  }
0x86: {  	[sflag:s14] =	ssyncadd.s32 $0xFFFFFF60  }
0x87: {  	v2 =	vld [tilespmem:$0x50]  }
0x88: {  	v3 =	vld [tilespmem:$0x60]  }
0x89: {  	v61 =	vld [tilespmem:$0x70]  }
0x8a: {  	v62 =	vld [tilespmem:$0x80]  }
0x8b: {  	v63 =	vld [tilespmem:$0x90]  }
0x8c: {  	[tilespmem:$0x200] =	vst v2  }
0x8d: {  	[tilespmem:$0x210] =	vst v3  }
0x8e: {  	[tilespmem:$0x220] =	vst v61  }
0x8f: {  	[tilespmem:$0x230] =	vst v62  }
0x90: {  	[tilespmem:$0x240] =	vst v63  }
0x91: {  	[tilespmem:s26], [sflag:$0x1] =	stream.indirect.gather [hbm4b:s5+s25], $0x80, s4, s25, $0xb8;
	[tilespmem:$0x1FB00] =	vst v63  }
0x92: {  	s18 =	smin.u32 s11, $0x79;
	_ =	swait.ge [sflag:s28], $0x2800  }
0x93: {  	s17 =	smul.u32 $0xA0, s18;
	[sflag:s28] =	ssyncset.done $0x0  }
0x94: {  	[sflag:s28] =	ssyncadd.s32 $0xFFFFD800  }
0x95: {  	s17 =	sadd.s32 s17, s13;
	_ =	swait.ge [sflag:s0], $0x2800  }
0x96: {  	s17 =	sshrl.u32 s17, $0x3;
	[sflag:s0] =	ssyncset.done $0x0  }
0x97: {  	s17 =	sadd.s32 s2, s17;
	[sflag:s0] =	ssyncadd.s32 $0xFFFFD800  }
0x98: {  	[tilespmem:s24], [sflag:$0x4] =	stream.linear.gather [hbm4b:s17+s4], $0xA0, $0x38;
	[tilespmem:$0x1FB00] =	vst v63  }
0x99: {  	_ = 	snop  }
0x9a: {  	[spmem:s3] =	stream.indirect.scatter.add.f32 [tilespmem:s26], [sflag:$0x2], $0x80, s29, s25, $0xb8;
	[tilespmem:$0x1FB00] =	vst v63  }
0x9b: {  	v2 =	vld [tilespmem:$0x200];
	_ =	sdelay $0x7  }
0x9c: {  	[tilespmem:v2+s30+$0x0] =	vst.idx.add.f32.msk $0xffff, v1  }
0x9d: {  	v2 =	vld [tilespmem:$0x210];
	_ =	sdelay $0x7  }
0x9e: {  	[tilespmem:v2+s30+$0x0] =	vst.idx.add.f32.msk $0xffff, v1  }
0x9f: {  	v2 =	vld [tilespmem:$0x220];
	_ =	sdelay $0x7  }
0xa0: {  	[tilespmem:v2+s30+$0x0] =	vst.idx.add.f32.msk $0xffff, v1  }
0xa1: {  	v2 =	vld [tilespmem:$0x230];
	_ =	sdelay $0x7  }
0xa2: {  	[tilespmem:v2+s30+$0x0] =	vst.idx.add.f32.msk $0xffff, v1  }
0xa3: {  	v2 =	vld [tilespmem:$0x240];
	_ =	sdelay $0x2  }
0xa4: {  	p0 =	sne.s32 s11, $0x7A  }
.Ltmp2:
0xa5: {  	_ = 	snop;
	(pc) =	sbr.rel @p0 .LBB2_6-.Ltmp2, $2  }
0xa6: {  	_ =	sdelay $0x2  }
0xa7: {  	s21 =	sadd.s32 $0x140, s21;
	s11 =	sadd.s32 $0x2, s11;
	[tilespmem:v2+s30+$0x0] =	vst.idx.add.f32.msk $0xffff, v1  }
0xa8: {  	_ =	swait.ge [sflag:s0], $0x2800  }
0xa9: {  	[sflag:s0] =	ssyncset.done $0x0  }
0xaa: {  	[sflag:s0] =	ssyncadd.s32 $0xFFFFD800  }
0xab: {  	_ =	swait.ge [sflag:s31], $0xA0  }
0xac: {  	[sflag:s31] =	ssyncset.done $0x0  }
0xad: {  	[sflag:s31] =	ssyncadd.s32 $0xFFFFFF60  }
0xae: {  	[bflag:$0x0] =	sbarrier.arrive $0xFFFF  }
0xaf: {  	[tilespmem:s22], [sflag:$0x5] =	stream.linear.gather [spmem:s6], $0x4000, $0x38;
	[tilespmem:$0x1FB00] =	vst v63  }
0xb0: {  	_ =	swait.ge [sflag:s23], $0x4000  }
0xb1: {  	[sflag:s23] =	ssyncset.done $0x0  }
0xb2: {  	s11 =	rddreg [dreg:$0x6];
	[sflag:s23] =	ssyncadd.s32 $0xFFFFC000  }
0xb3: {  	[hbm4b:s11+s4] =	stream.linear.scatter [tilespmem:s22], [sflag:$0x5], $0x4000, $0x38;
	[tilespmem:$0x1FB00] =	vst v63  }
0xb4: {  	_ =	swait.ge [sflag:s23], $0x4000  }
0xb5: {  	[sflag:s23] =	ssyncset.done $0x0  }
0xb6: {  	[sflag:s23] =	ssyncadd.s32 $0xFFFFC000  }
0xb7: {  	[tilespmem:s22], [sflag:$0x5] =	stream.linear.gather [spmem:s7], $0x4000, $0x38;
	[tilespmem:$0x1FB00] =	vst v63  }
0xb8: {  	_ =	swait.ge [sflag:s23], $0x4000  }
0xb9: {  	[sflag:s23] =	ssyncset.done $0x0  }
0xba: {  	s18 =	rddreg [dreg:$0x7];
	[sflag:s23] =	ssyncadd.s32 $0xFFFFC000  }
0xbb: {  	[hbm4b:s18+s4] =	stream.linear.scatter [tilespmem:s22], [sflag:$0x5], $0x4000, $0x38;
	[tilespmem:$0x1FB00] =	vst v63  }
0xbc: {  	_ =	swait.ge [sflag:s23], $0x4000  }
0xbd: {  	[sflag:s23] =	ssyncset.done $0x0  }
0xbe: {  	[sflag:s23] =	ssyncadd.s32 $0xFFFFC000  }
0xbf: {  	[tilespmem:s22], [sflag:$0x5] =	stream.linear.gather [spmem:s8], $0x4000, $0x38;
	[tilespmem:$0x1FB00] =	vst v63  }
0xc0: {  	_ =	swait.ge [sflag:s23], $0x4000  }
0xc1: {  	[sflag:s23] =	ssyncset.done $0x0  }
0xc2: {  	s21 =	rddreg [dreg:$0x8];
	[sflag:s23] =	ssyncadd.s32 $0xFFFFC000  }
0xc3: {  	[hbm4b:s21+s4] =	stream.linear.scatter [tilespmem:s22], [sflag:$0x5], $0x4000, $0x38;
	[tilespmem:$0x1FB00] =	vst v63  }
0xc4: {  	_ =	swait.ge [sflag:s23], $0x4000  }
0xc5: {  	[sflag:s23] =	ssyncset.done $0x0  }
0xc6: {  	[sflag:s23] =	ssyncadd.s32 $0xFFFFC000  }
0xc7: {  	[tilespmem:s22], [sflag:$0x5] =	stream.linear.gather [spmem:s9], $0x4000, $0x38;
	[tilespmem:$0x1FB00] =	vst v63  }
0xc8: {  	_ =	swait.ge [sflag:s23], $0x4000  }
0xc9: {  	[sflag:s23] =	ssyncset.done $0x0  }
0xca: {  	s17 =	rddreg [dreg:$0x9];
	[sflag:s23] =	ssyncadd.s32 $0xFFFFC000  }
0xcb: {  	[hbm4b:s17+s4] =	stream.linear.scatter [tilespmem:s22], [sflag:$0x5], $0x4000, $0x38;
	[tilespmem:$0x1FB00] =	vst v63  }
0xcc: {  	_ =	swait.ge [sflag:s23], $0x4000  }
0xcd: {  	[sflag:s23] =	ssyncset.done $0x0  }
0xce: {  	[sflag:s23] =	ssyncadd.s32 $0xFFFFC000  }
0xcf: {  	[tilespmem:s22], [sflag:$0x5] =	stream.linear.gather [spmem:s10], $0x4000, $0x38;
	[tilespmem:$0x1FB00] =	vst v63  }
0xd0: {  	_ =	swait.ge [sflag:s23], $0x4000  }
0xd1: {  	[sflag:s23] =	ssyncset.done $0x0  }
0xd2: {  	s18 =	rddreg [dreg:$0xa];
	[sflag:s23] =	ssyncadd.s32 $0xFFFFC000  }
0xd3: {  	[hbm4b:s18+s4] =	stream.linear.scatter [tilespmem:s22], [sflag:$0x5], $0x4000, $0x38;
	[tilespmem:$0x1FB00] =	vst v63  }
0xd4: {  	s15 =	sadd.s32 $0x1, s15;
	_ =	swait.ge [sflag:s23], $0x4000  }
0xd5: {  	p0 =	sne.s32 s15, s20;
	s21 =	simm.s32 $0x80;
	[sflag:s23] =	ssyncset.done $0x0  }
.Ltmp3:
0xd6: {  	s17 =	simm.s32 $0x400;
	[sflag:s23] =	ssyncadd.s32 $0xFFFFC000;
	(pc) =	sbr.rel @p0 .LBB2_1-.Ltmp3, $4  }
0xd7: {  	[hbm4b:s19+s21] =	stream.strided.scatter [tilespmem:s30], [sflag:$0x5], $0x2800, s17, s21, $0x38;
	[tilespmem:$0x1FB00] =	vst v63  }
0xd8: {  	_ =	swait.ge [sflag:s23], $0x2800  }
0xd9: {  	[sflag:s23] =	ssyncset.done $0x0  }
0xda: {  	[sflag:s23] =	ssyncadd.s32 $0xFFFFD800  }
0xdb: {  	_ =	sfence.sel $0x180000  }
0xdc: {  	[bflag:$0x0] =	sbarrier.arrive $0xFFFF  }
0xdd: {  	_ =	strace $0x90000047  }
0xde: {  	s0 =	stileid.u32;
	[bflag:$0x2] =	sbarrier.arrive $0xFFFF  }
0xdf: {  	p0 =	sne.s32 s0, $0x0;
	s0 =	rddreg [dreg:$0x3]  }
0xe0: {  	s0 =	sadd.s32 @!p0 $0x100000, s0  }
0xe1: {  	[sflag:s0] =	ssyncadd.tile.s32 @!p0 $0x1;
	_ =	shalt  }
.Lfunc_end2:
_tile_overlayer_lowered:
.L_overlay_start_2:
0xe2: {  	(tag) =	ssettag $0x2  }
0xe3: {  	s0 =	rddreg [dreg:$0x0];
	s2 =	stileid.u32  }
0xe4: {  	s1 =	rddreg [dreg:$0x1];
	p0 =	sne.s32 s2, $0x0  }
0xe5: {  	s3 =	rddreg [dreg:$0x2];
	[bflag:$0x3] =	sbarrier.arrive $0xFFFF;
	s2 =	simm.s32 @!p0 $0x1C05  }
0xe6: {  	[timem:s3], [sflag:s2] =	dma.local @!p0 [hbm:s0], s1  }
0xe7: {  	s0 =	simm.s32 @!p0 $0x5  }
0xe8: {  	_ =	swait.ge @!p0 [sflag:s0], s1  }
0xe9: {  	s1 =	ssub.s32 @!p0 $0x0, s1;
	[sflag:s0] =	ssyncset.done @!p0 $0x0  }
0xea: {  	[sflag:s0] =	ssyncadd.s32 @!p0 s1  }
0xeb: {  	[bflag:$0x3] =	sbarrier.arrive $0xFFFF  }
0xec: {  	_ =	shalt  }

// kernel: kernel.9.cloned.1.call-start
scs
__scs_entry_jumppad:
0x0: {  	(pc) =	sbr.rel $0x88, $3  }
0x1: {  	(tag) =	ssettag $0x0;
	lr =	simm.s32 $0x1  }
0x2: {  	[smem:$0x3F97] =	sst lr;
	_ =	strace $0xD0000000  }
0x3: {  	_ = 	snop  }
0x4: {  	_ = 	snop  }
0x5: {  	_ = 	snop  }
0x6: {  	_ = 	snop  }
0x7: {  	_ = 	snop  }
__scs_overlays_trampoline_lowered:
0x8: {  	[smem:$0x3FA6] =	sst s0  }
0x9: {  	[smem:$0x3FA7] =	sst s1  }
0xa: {  	[smem:$0x3FA8] =	sst s2  }
0xb: {  	[smem:$0x3FA9] =	sst s3  }
0xc: {  	[smem:$0x3FAA] =	sst s4  }
0xd: {  	[smem:$0x3FAB] =	sst s5  }
0xe: {  	[smem:$0x3FAC] =	sst s6  }
0xf: {  	[smem:$0x3FAD] =	sst s7  }
0x10: {  	[smem:$0x3FAE] =	sst s8  }
0x11: {  	[smem:$0x3FAF] =	sst s9;
	s0 =	simm.s32 @!p0 $0x0  }
0x12: {  	s1 =	sld [smem:$0x3F95];
	s0 =	simm.s32 @p0 $0x1  }
0x13: {  	[smem:$0x3FB0] =	sst s0;
	s0 =	simm.s32 @!p1 $0x0  }
0x14: {  	s2 =	sld [smem:$0x3F94];
	s0 =	simm.s32 @p1 $0x1  }
0x15: {  	[smem:$0x3FB1] =	sst s0;
	s0 =	simm.s32 @!p2 $0x0  }
0x16: {  	s3 =	sld [smem:$0x3FDB];
	s0 =	simm.s32 @p2 $0x1  }
0x17: {  	s4 =	simm.s32 $0x1BF5;
	[smem:$0x3FB3] =	sst s0  }
0x18: {  	s0 =	sld [smem:$0x3F96];
	_ =	swait.ge [sflag:s4], $0x0  }
0x19: {  	s7 =	sld [smem:$0x3F97]  }
0x1a: {  	s8 =	sadd.s32 $0xFFFFE003, lr  }
0x1b: {  	s9 =	sadd.s32 $0xFFFFFEF7, lr;
	s5 =	simm.s32 $0xFFFFFFFF;
	p2 =	slt.u32 s8, $0xFFFFF086  }
0x1c: {  	p1 =	slt.u32 s9, $0xF7A;
	s5 =	simm.s32 @!p2 $0x0  }
0x1d: {  	s5 =	simm.s32 @p1 $0x1;
	p0 =	seq.s32 s7, s2  }
0x1e: {  	s7 =	smul.u32 @!p0 $0xF7A, s2;
	p2 =	seq.s32 @!p0 s5, $0x0  }
0x1f: {  	s9 =	smul.u32 $0xF7A, s1;
	s8 =	simm.s32 @!p0 $0x1BF5;
	p2 =	por !p2, p0  }
0x20: {  	[sflag:s8] =	ssyncset.s32 @!p0 $0xFFFFF086;
	s6 =	sadd.s32 @!p0 s3, s7;
	s7 =	simm.s32 @!p0 $0x108  }
0x21: {  	s3 =	sadd.s32 s3, s9;
	s6 =	sadd.s32 @!p0 $0x88, s6;
	s7 =	simm.s32 @p2 $0x1082  }
0x22: {  	[simem:s7], [sflag:s8] =	dma.local @!p0 [hbm:s6], $0xF7A  }
0x23: {  	s9 =	sor.u32 $0xD0000000, s2;
	s6 =	simm.s32 $0x108;
	_ =	swait.ge @!p0 [sflag:s8], $0x0  }
0x24: {  	s3 =	sadd.s32 $0x88, s3;
	s6 =	simm.s32 @!p1 $0x1082;
	[sflag:s4] =	ssyncset.s32 $0xFFFFF086  }
0x25: {  	[simem:s6], [sflag:s4] =	dma.local [hbm:s3], $0xF7A  }
0x26: {  	[smem:$0x3F97] =	sst s1;
	(tag) =	ssettag s2;
	_ =	strace s9  }
0x27: {  	s1 =	sld [smem:$0x3FA7]  }
0x28: {  	s2 =	sld [smem:$0x3FA8]  }
0x29: {  	s4 =	sld [smem:$0x3FAA]  }
0x2a: {  	p0 =	seq.s32 s5, $0x0;
	s5 =	sld [smem:$0x3FAB]  }
0x2b: {  	s6 =	sld [smem:$0x3FAC]  }
0x2c: {  	s7 =	sld [smem:$0x3FAD]  }
0x2d: {  	s3 =	simm.s32 $0x108;
	s8 =	sld [smem:$0x3FAE]  }
0x2e: {  	s3 =	simm.s32 @!p0 $0x1082;
	s9 =	sld [smem:$0x3FAF]  }
0x2f: {  	lr =	sadd.s32 s0, s3;
	s0 =	sld [smem:$0x3FA6]  }
0x30: {  	s3 =	sld [smem:$0x3FA9]  }
0x31: {  	[smem:$0x3FB2] =	sst s10  }
0x32: {  	s10 =	sld [smem:$0x3FB0];
	_ =	sdelay $0x3  }
0x33: {  	p0 =	seq.s32 s10, $0x1;
	s10 =	sld [smem:$0x3FB2];
	_ =	sdelay $0x3  }
0x34: {  	[smem:$0x3FB2] =	sst s10  }
0x35: {  	s10 =	sld [smem:$0x3FB1];
	_ =	sdelay $0x3  }
0x36: {  	p1 =	seq.s32 s10, $0x1;
	s10 =	sld [smem:$0x3FB2];
	_ =	sdelay $0x3  }
0x37: {  	[smem:$0x3FB2] =	sst s10  }
0x38: {  	s10 =	sld [smem:$0x3FB3]  }
0x39: {  	_ = 	snop;
	(pc) =	sbr.ind lr, $3  }
0x3a: {  	_ = 	snop  }
0x3b: {  	_ = 	snop  }
0x3c: {  	p2 =	seq.s32 s10, $0x1;
	s10 =	sld [smem:$0x3FB2]  }
0x3d: {  	_ =	shalt  }
0x3e: {  	_ =	shalt  }
0x3f: {  	_ =	shalt  }
0x40: {  	_ =	shalt  }
0x41: {  	_ =	shalt  }
0x42: {  	_ =	shalt  }
0x43: {  	_ =	shalt  }
0x44: {  	_ =	shalt  }
0x45: {  	_ =	shalt  }
0x46: {  	_ =	shalt  }
0x47: {  	_ =	shalt  }
0x48: {  	_ =	shalt  }
0x49: {  	_ =	shalt  }
0x4a: {  	_ =	shalt  }
0x4b: {  	_ =	shalt  }
0x4c: {  	_ =	shalt  }
0x4d: {  	_ =	shalt  }
0x4e: {  	_ =	shalt  }
0x4f: {  	_ =	shalt  }
0x50: {  	_ =	shalt  }
0x51: {  	_ =	shalt  }
0x52: {  	_ =	shalt  }
0x53: {  	_ =	shalt  }
0x54: {  	_ =	shalt  }
0x55: {  	_ =	shalt  }
0x56: {  	_ =	shalt  }
0x57: {  	_ =	shalt  }
0x58: {  	_ =	shalt  }
0x59: {  	_ =	shalt  }
0x5a: {  	_ =	shalt  }
0x5b: {  	_ =	shalt  }
0x5c: {  	_ =	shalt  }
0x5d: {  	_ =	shalt  }
0x5e: {  	_ =	shalt  }
0x5f: {  	_ =	shalt  }
0x60: {  	_ =	shalt  }
0x61: {  	_ =	shalt  }
0x62: {  	_ =	shalt  }
0x63: {  	_ =	shalt  }
0x64: {  	_ =	shalt  }
0x65: {  	_ =	shalt  }
0x66: {  	_ =	shalt  }
0x67: {  	_ =	shalt  }
0x68: {  	_ =	shalt  }
0x69: {  	_ =	shalt  }
0x6a: {  	_ =	shalt  }
0x6b: {  	_ =	shalt  }
0x6c: {  	_ =	shalt  }
0x6d: {  	_ =	shalt  }
0x6e: {  	_ =	shalt  }
0x6f: {  	_ =	shalt  }
0x70: {  	_ =	shalt  }
0x71: {  	_ =	shalt  }
0x72: {  	_ =	shalt  }
0x73: {  	_ =	shalt  }
0x74: {  	_ =	shalt  }
0x75: {  	_ =	shalt  }
0x76: {  	_ =	shalt  }
0x77: {  	_ =	shalt  }
0x78: {  	_ =	shalt  }
0x79: {  	_ =	shalt  }
0x7a: {  	_ =	shalt  }
0x7b: {  	_ =	shalt  }
0x7c: {  	_ =	shalt  }
0x7d: {  	_ =	shalt  }
0x7e: {  	_ =	shalt  }
0x7f: {  	_ =	shalt  }
0x80: {  	_ =	shalt  }
0x81: {  	_ =	shalt  }
0x82: {  	_ =	shalt  }
0x83: {  	_ =	shalt  }
0x84: {  	_ =	shalt  }
0x85: {  	_ =	shalt  }
0x86: {  	_ =	shalt  }
0x87: {  	_ =	shalt  }
.Lfunc_end0:
.L_simem_size_0:
called_computation.1_lowered:
.L_overlay_start_0:
0x88: {  	s2 =	sld [smem:$0x3FD9]  }
0x89: {  	s3 =	sld [smem:$0x3FFE];
	_ =	sdelay $0x1  }
0x8a: {  	s1 =	srdreg.scid  }
0x8b: {  	s0 =	sand.u32 $0x1, s1  }
0x8c: {  	s14 =	sshll.u32 s0, $0xA;
	s2 =	sadd.s32 s3, s2  }
0x8d: {  	s2 =	sadd.s32 s2, s14  }
0x8e: {  	[smem:$0x3FBE] =	sst s2  }
0x8f: {  	_ = 	snop  }
0x90: {  	s2 =	sld [smem:$0x3FD0];
	_ =	sdelay $0x2  }
0x91: {  	s15 =	simm.s32 $0xA;
	s4 =	simm.s32 $0x10  }
0x92: {  	[smem:s4], [sflag:s15] =	dma.local [hbm:s2], $0x1  }
0x93: {  	_ =	swait.eq [sflag:s15], $0x1  }
0x94: {  	[sflag:s15] =	ssyncset.done $0x0  }
0x95: {  	[sflag:s15] =	ssyncadd.s32 $0xFFFFFFFF  }
0x96: {  	s16 =	sld [smem:$0x11];
	(tm) =	ssettm $0x1  }
0x97: {  	s17 =	sld [smem:$0x3FFB];
	_ =	sdelay $0x3  }
0x98: {  	_ =	strace s17  }
0x99: {  	s3 =	sld [smem:$0x3FFC];
	_ =	sdelay $0x3  }
0x9a: {  	_ =	strace s3  }
0x9b: {  	s3 =	sld [smem:$0x3FFD];
	_ =	sdelay $0x3  }
0x9c: {  	_ =	strace s3  }
0x9d: {  	_ =	strace $0x8FFFFFFF  }
0x9e: {  	s18 =	sld [smem:$0x3FDB];
	_ =	sdelay $0x1  }
0x9f: {  	s19 =	simm.s32 $_scs_section_size  }
0xa0: {  	s5 =	simm.s32 $_size__tile_overlayer_lowered;
	s6 =	simm.s32 $_tile_overlayer_lowered  }
0xa1: {  	s22 =	simm.s32 $0x1BFF;
	s21 =	sshll.u32 s6, $0x1;
	s3 =	sadd.s32 s19, s18  }
0xa2: {  	s7 =	simm.s32 $0x0;
	s20 =	sshll.u32 s5, $0x1;
	s5 =	sadd.s32 s21, s3  }
0xa3: {  	[timem:s7], [sflag:s22] =	dma.local [hbm:s5], s20  }
0xa4: {  	_ =	swait.ge [sflag:s22], s20  }
0xa5: {  	s4 =	ssub.s32 $0x0, s20;
	[sflag:s22] =	ssyncset.done $0x0  }
0xa6: {  	[sflag:s22] =	ssyncadd.s32 s4;
	_ =	sdelay $0x1  }
0xa7: {  	s23 =	simm.s32 $0x1B8B  }
0xa8: {  	_ =	swait.ge [sflag:s23], $0x1  }
0xa9: {  	[sflag:s23] =	ssyncset.done $0x0  }
0xaa: {  	s25 =	simm.s32 $0x1B8E;
	s24 =	sld [smem:$0x3FFE];
	[sflag:s23] =	ssyncadd.s32 $0xFFFFFFFF  }
0xab: {  	s26 =	simm.s32 $execute0_lowered;
	[smem:$0x3FD2] =	sst s25  }
0xac: {  	s5 =	sshll.u32 s26, $0x1;
	_ =	strace $0x80000049;
	[dreg:$0x1] =	wrdreg $0xFFFFFFFF  }
0xad: {  	s28 =	simm.s32 $_size_execute0_lowered;
	s3 =	sadd.s32 s3, s5;
	[dreg:$0x0] =	wrdreg $0x0  }
0xae: {  	s5 =	sshll.u32 s28, $0x1;
	[dreg:$0x2] =	wrdreg s3  }
0xaf: {  	[dreg:$0x3] =	wrdreg s5  }
0xb0: {  	[dreg:$0x4] =	wrdreg $0xC0  }
0xb1: {  	_ =	task [dreg:s7], $0x5FFFF  }
0xb2: {  	[dreg:$0x1] =	wrdreg $0xFFFFFFFF  }
0xb3: {  	[dreg:$0x0] =	wrdreg $0x60  }
0xb4: {  	[dreg:$0x2] =	wrdreg s24  }
0xb5: {  	[dreg:$0x3] =	wrdreg s16  }
0xb6: {  	[dreg:$0x4] =	wrdreg $0x93000  }
0xb7: {  	[dreg:$0x5] =	wrdreg $0x9  }
0xb8: {  	_ =	task.clear_ibuf [dreg:s7], $0x6FFFF;
	_ =	strace $0x90000049  }
0xb9: {  	s29 =	simm.s32 $0x9;
	_ =	strace $0x8000004B  }
0xba: {  	_ =	swait.ge [sflag:s29], $0x1  }
0xbb: {  	[sflag:s29] =	ssyncadd.s32 $0xFFFFFFFF  }
0xbc: {  	_ =	strace $0x9000004B  }
0xbd: {  	_ =	sfence  }
0xbe: {  	s30 =	sld [smem:$0x0];
	_ =	sdelay $0x2  }
0xbf: {  	s31 =	sshll.u32 s1, $0xD;
	s1 =	sshrl.u32 s1, $0x2  }
0xc0: {  	s3 =	sand.u32 $0x4000, s31;
	s1 =	sadd.s32 s1, s30  }
0xc1: {  	s0 =	sor.u32 s3, s0;
	s1 =	sshll.u32 s1, $0x11  }
0xc2: {  	s0 =	sor.u32 s1, s0  }
0xc3: {  	s0 =	sadd.s32 $0x8F2B, s0  }
0xc4: {  	[sflag:s0] =	ssyncadd.remote.s32 $0x1  }
0xc5: {  	_ =	sfence.sel $0xFFFF  }
0xc6: {  	[dreg:$0x0] =	wrdreg $0xFFFFFFFF;
	(pc) =	sbr.abs _section_cstart, $3  }
0xc7: {  	[dreg:$0x1] =	wrdreg $0xFFFFFFFF  }
0xc8: {  	_ =	task.clear_ibuf [dreg:s7], $0x2FFFF;
	_ =	strace $0x9FFFFFFF  }
0xc9: {  	(tm) =	ssettm $0x7FFFFFFF  }
tec
execute0_lowered:
.L_overlay_start_1:
0x0: {  	(tag) =	ssettag $0x1  }
0x1: {  	s0 =	rddreg [dreg:$0x0]  }
0x2: {  	s1 =	rddreg [dreg:$0x1]  }
0x3: {  	s2 =	rddreg [dreg:$0x2];
	s3 =	simm.s32 $0x0;
	s4 =	srdreg.scid  }
0x4: {  	s19 =	stileid.u32;
	s28 =	simm.s32 $0x1;
	s29 =	simm.s32 $0x200  }
0x5: {  	s30 =	simm.s32 $0x4;
	s31 =	simm.s32 $0x2B00;
	s7 =	smul.u32 $0x50000, s19  }
0x6: {  	[smem:$0x7FF] =	sst s3;
	s5 =	sadd.s32 $0x2400, s0;
	s10 =	smul.u32 $0x14000, s19  }
0x7: {  	s4 =	sand.u32 $0x1, s4;
	s0 =	sadd.s32 $0x2A400, s0;
	s22 =	smul.u32 $0x9C40, s19  }
0x8: {  	s9 =	sshll.u32 s19, $0x1;
	_ =	strace $0x8000004A;
	s16 =	smul.u32 $0x140000, s4  }
0x9: {  	s6 =	ssub.s32 $0x2, s4;
	s21 =	sor.u32 s4, s9;
	s4 =	smul.u32 $0x4E20, s4  }
0xa: {  	s8 =	sshrl.u32 s6, $0x1;
	s7 =	sshrl.u32 s7, $0x2;
	s11 =	smul.u32 $0x4E20, s21  }
0xb: {  	s13 =	sadd.s32 $0x4000, s10;
	s14 =	sadd.s32 $0x8000, s10;
	s15 =	sadd.s32 $0xC000, s10  }
0xc: {  	s17 =	sadd.s32 $0x10000, s10;
	s12 =	ssub.s32 s6, s8;
	s6 =	sadd.s32 s7, s2  }
0xd: {  	s7 =	sadd.s32 s13, s2;
	s8 =	sadd.s32 s14, s2;
	s9 =	sadd.s32 s15, s2  }
0xe: {  	s18 =	sadd.s32 s10, s16;
	s10 =	sadd.s32 s17, s2;
	s13 =	sadd.s32 s16, s13  }
0xf: {  	s14 =	sadd.s32 s16, s14;
	s24 =	sadd.s32 s16, s15;
	s25 =	sadd.s32 s16, s17  }
0x10: {  	s4 =	sadd.s32 s4, s22;
	s22 =	simm.s32 $0x5300;
	s11 =	sshrl.u32 s11, $0x3  }
0x11: {  	s18 =	sshrl.u32 s18, $0x3;
	s13 =	sshrl.u32 s13, $0x3;
	s23 =	sshrl.u32 s14, $0x3  }
0x12: {  	s14 =	sshrl.u32 s25, $0x3;
	s26 =	sadd.s32 $0x1E0, s4;
	s12 =	smax.u32 s12, $0x1  }
0x13: {  	s16 =	sadd.s32 $0x140, s4;
	s25 =	simm.s32 $0x50;
	s4 =	simm.s32 $0x280  }
0x14: {  	s11 =	sadd.s32 s1, s11;
	s18 =	sadd.s32 s0, s18;
	[dreg:$0xa] =	wrdreg s12  }
0x15: {  	s13 =	sadd.s32 s0, s13;
	s12 =	simm.s32 $0x3;
	[dreg:$0x5] =	wrdreg s18  }
0x16: {  	s20 =	sadd.s32 $0x14, s11;
	[dreg:$0x6] =	wrdreg s13;
	s13 =	sadd.s32 s0, s23  }
0x17: {  	s19 =	sadd.s32 $0x9B0, s11;
	[dreg:$0x7] =	wrdreg s13;
	s13 =	sshrl.u32 s24, $0x3  }
0x18: {  	s23 =	simm.s32 $0x5;
	[dreg:$0x4] =	wrdreg s20;
	s13 =	sadd.s32 s0, s13  }
0x19: {  	s24 =	simm.s32 $0x100;
	s0 =	sadd.s32 s0, s14;
	[dreg:$0x8] =	wrdreg s13  }
0x1a: {  	[dreg:$0x9] =	wrdreg s0;
	s0 =	sshrl.u32 s26, $0x3;
	s26 =	simm.s32 $0x300  }
0x1b: {  	v0 =	vimm.f32 $0.0e+00;
	s13 =	simm.s32 $0x0;
	s20 =	sadd.s32 s0, s1;
	s0 =	simm.s32 $0x2  }
.LBB2_1:
0x1c: {  	s14 =	sand.u32 $0xFE00, s3  }
0x1d: {  	s15 =	sand.u32 $0x70, s3;
	s21 =	sshrl.u32 s14, $0x2  }
0x1e: {  	s14 =	simm.s32 $0x40;
	s21 =	sor.u32 s15, s21;
	s15 =	simm.s32 $0x0  }
.LBB2_2:
0x1f: {  	p0 =	sne.s32 s14, $0xFFC0  }
0x20: {  	[tilespmem:s21+$0x5300] =	vst v0;
	s15 =	sadd.s32 $0x10, s15;
	s21 =	smov.u32 s14;
	s14 =	sadd.s32 $0x40, s14  }
.Ltmp0:
0x21: {  	(pc) =	sbr.rel @p0 .LBB2_2-.Ltmp0, $4  }
0x22: {  	_ = 	snop  }
0x23: {  	s21 =	sand.u32 $0xFE00, s21  }
0x24: {  	s17 =	sand.u32 $0x70, s15;
	s21 =	sshrl.u32 s21, $0x2  }
0x25: {  	s21 =	sor.u32 s17, s21  }
0x26: {  	[tilespmem:s21+$0x5300] =	vst v0  }
0x27: {  	[spmem:s6] =	stream.linear.scatter [tilespmem:s22], [sflag:$0x5], $0x4000, $0x38;
	[tilespmem:$0x1D300] =	vst v63  }
0x28: {  	_ =	swait.ge [sflag:s23], $0x4000  }
0x29: {  	[sflag:s23] =	ssyncset.done $0x0  }
0x2a: {  	[sflag:s23] =	ssyncadd.s32 $0xFFFFC000  }
0x2b: {  	[spmem:s7] =	stream.linear.scatter [tilespmem:s22], [sflag:$0x5], $0x4000, $0x38;
	[tilespmem:$0x1D300] =	vst v63  }
0x2c: {  	_ =	swait.ge [sflag:s23], $0x4000  }
0x2d: {  	[sflag:s23] =	ssyncset.done $0x0  }
0x2e: {  	[sflag:s23] =	ssyncadd.s32 $0xFFFFC000  }
0x2f: {  	[spmem:s8] =	stream.linear.scatter [tilespmem:s22], [sflag:$0x5], $0x4000, $0x38;
	[tilespmem:$0x1D300] =	vst v63  }
0x30: {  	_ =	swait.ge [sflag:s23], $0x4000  }
0x31: {  	[sflag:s23] =	ssyncset.done $0x0  }
0x32: {  	[sflag:s23] =	ssyncadd.s32 $0xFFFFC000  }
0x33: {  	[spmem:s9] =	stream.linear.scatter [tilespmem:s22], [sflag:$0x5], $0x4000, $0x38;
	[tilespmem:$0x1D300] =	vst v63  }
0x34: {  	_ =	swait.ge [sflag:s23], $0x4000  }
0x35: {  	[sflag:s23] =	ssyncset.done $0x0  }
0x36: {  	[sflag:s23] =	ssyncadd.s32 $0xFFFFC000  }
0x37: {  	[spmem:s10] =	stream.linear.scatter [tilespmem:s22], [sflag:$0x5], $0x4000, $0x38;
	[tilespmem:$0x1D300] =	vst v63  }
0x38: {  	_ =	swait.ge [sflag:s23], $0x4000  }
0x39: {  	[sflag:s23] =	ssyncset.done $0x0  }
0x3a: {  	[sflag:s23] =	ssyncadd.s32 $0xFFFFC000  }
0x3b: {  	[bflag:$0x0] =	sbarrier.arrive $0xFFFF  }
0x3c: {  	s14 =	simm.s32 $0x0;
	s15 =	rddreg [dreg:$0x4]  }
0x3d: {  	[tilespmem:s24], [sflag:$0x4] =	stream.linear.gather [hbm4b:s15+s14], $0xA0, $0x38;
	[tilespmem:$0x1D300] =	vst v63  }
0x3e: {  	_ = 	snop  }
0x3f: {  	[tilespmem:s14], [sflag:$0x5] =	stream.linear.gather [hbm4b:s11+s14], $0xA0, $0x38;
	[tilespmem:$0x1D300] =	vst v63  }
0x40: {  	_ =	swait.ge [sflag:s23], $0xA0  }
0x41: {  	[sflag:s23] =	ssyncset.done $0x0  }
0x42: {  	[sflag:s23] =	ssyncadd.s32 $0xFFFFFF60  }
0x43: {  	v1 =	vld [tilespmem:$0x50]  }
0x44: {  	v2 =	vld [tilespmem:$0x60]  }
0x45: {  	v3 =	vld [tilespmem:$0x70]  }
0x46: {  	v4 =	vld [tilespmem:$0x80]  }
0x47: {  	v5 =	vld [tilespmem:$0x90]  }
0x48: {  	[tilespmem:$0x200] =	vst v1  }
0x49: {  	[tilespmem:$0x210] =	vst v2  }
0x4a: {  	[tilespmem:$0x220] =	vst v3  }
0x4b: {  	[tilespmem:$0x230] =	vst v4  }
0x4c: {  	[tilespmem:$0x240] =	vst v5  }
0x4d: {  	[tilespmem:s26], [sflag:$0x1] =	stream.indirect.gather [hbm4b:s5+s25], $0x80, s14, s25, $0xb8;
	[tilespmem:$0x1D300] =	vst v63  }
0x4e: {  	_ =	swait.ge [sflag:s28], $0x2800  }
0x4f: {  	[sflag:s28] =	ssyncset.done $0x0  }
0x50: {  	[sflag:s28] =	ssyncadd.s32 $0xFFFFD800  }
0x51: {  	[spmem:s2] =	stream.indirect.scatter.add.f32 [tilespmem:s26], [sflag:$0x2], $0x80, s29, s25, $0xb8;
	[tilespmem:$0x1D300] =	vst v63  }
0x52: {  	_ =	swait.ge [sflag:s30], $0xA0  }
0x53: {  	[sflag:s30] =	ssyncset.done $0x0  }
0x54: {  	[sflag:s30] =	ssyncadd.s32 $0xFFFFFF60  }
0x55: {  	v1 =	vld [tilespmem:$0x190]  }
0x56: {  	v2 =	vld [tilespmem:$0x180]  }
0x57: {  	v3 =	vld [tilespmem:$0x150]  }
0x58: {  	v60 =	vld [tilespmem:$0x170]  }
0x59: {  	v61 =	vld [tilespmem:$0x160]  }
0x5a: {  	[tilespmem:$0x2C0] =	vst v1  }
0x5b: {  	[tilespmem:$0x2B0] =	vst v2  }
0x5c: {  	[tilespmem:$0x280] =	vst v3  }
0x5d: {  	[tilespmem:$0x2A0] =	vst v60  }
0x5e: {  	[tilespmem:$0x290] =	vst v61  }
0x5f: {  	[tilespmem:s31], [sflag:$0x1] =	stream.indirect.gather [hbm4b:s5+s25], $0x80, s24, s25, $0xb8;
	[tilespmem:$0x1D300] =	vst v63  }
0x60: {  	_ =	swait.ge [sflag:s28], $0x2800  }
0x61: {  	[sflag:s28] =	ssyncset.done $0x0  }
0x62: {  	[sflag:s28] =	ssyncadd.s32 $0xFFFFD800  }
0x63: {  	_ =	swait.ge [sflag:s0], $0x2800  }
0x64: {  	s21 =	sshrl.u32 s16, $0x3;
	[sflag:s0] =	ssyncset.done $0x0  }
0x65: {  	s15 =	sadd.s32 s1, s21;
	[sflag:s0] =	ssyncadd.s32 $0xFFFFD800  }
0x66: {  	[tilespmem:s3], [sflag:$0x3] =	stream.linear.gather [hbm4b:s15+s3], $0xA0, $0x38;
	[tilespmem:$0x1D300] =	vst v63  }
0x67: {  	_ = 	snop  }
0x68: {  	[spmem:s2] =	stream.indirect.scatter.add.f32 [tilespmem:s31], [sflag:$0x2], $0x80, s4, s25, $0xb8;
	[tilespmem:$0x1D300] =	vst v63  }
0x69: {  	_ =	swait.ge [sflag:s12], $0xA0  }
0x6a: {  	[sflag:s12] =	ssyncset.done $0x0  }
0x6b: {  	[sflag:s12] =	ssyncadd.s32 $0xFFFFFF60  }
0x6c: {  	v1 =	vld [tilespmem:$0x50]  }
0x6d: {  	v2 =	vld [tilespmem:$0x90]  }
0x6e: {  	v3 =	vld [tilespmem:$0x60]  }
0x6f: {  	v62 =	vld [tilespmem:$0x80]  }
0x70: {  	v63 =	vld [tilespmem:$0x70]  }
0x71: {  	[tilespmem:$0x200] =	vst v1  }
0x72: {  	[tilespmem:$0x240] =	vst v2  }
0x73: {  	[tilespmem:$0x210] =	vst v3  }
0x74: {  	[tilespmem:$0x230] =	vst v62  }
0x75: {  	s21 =	smov.u32 s16;
	s15 =	simm.s32 $0x28;
	[tilespmem:$0x220] =	vst v63  }
0x76: {  	[tilespmem:s26], [sflag:$0x1] =	stream.indirect.gather [hbm4b:s5+s25], $0x80, s3, s25, $0xb8;
	[tilespmem:$0x1D300] =	vst v63  }
.LBB2_4:
0x77: {  	p0 =	sne.s32 s15, $0x960;
	_ =	swait.ge [sflag:s28], $0x2800;
	s21 =	sadd.s32 $0x140, s21  }
0x78: {  	s17 =	smov.u32 s15;
	s15 =	sadd.s32 $0x28, s15;
	[sflag:s28] =	ssyncset.done $0x0  }
0x79: {  	[sflag:s28] =	ssyncadd.s32 $0xFFFFD800  }
0x7a: {  	_ =	swait.ge [sflag:s0], $0x2800  }
0x7b: {  	s18 =	sadd.s32 s14, s20;
	s14 =	smov.u32 s17;
	[sflag:s0] =	ssyncset.done $0x0  }
0x7c: {  	[sflag:s0] =	ssyncadd.s32 $0xFFFFD800  }
0x7d: {  	[tilespmem:s24], [sflag:$0x4] =	stream.linear.gather [hbm4b:s18+s3], $0xA0, $0x38;
	[tilespmem:$0x1D300] =	vst v63  }
0x7e: {  	_ = 	snop  }
0x7f: {  	[spmem:s2] =	stream.indirect.scatter.add.f32 [tilespmem:s26], [sflag:$0x2], $0x80, s29, s25, $0xb8;
	[tilespmem:$0x1D300] =	vst v63  }
0x80: {  	_ =	swait.ge [sflag:s30], $0xA0  }
0x81: {  	[sflag:s30] =	ssyncset.done $0x0  }
0x82: {  	[sflag:s30] =	ssyncadd.s32 $0xFFFFFF60  }
0x83: {  	v1 =	vld [tilespmem:$0x190]  }
0x84: {  	v2 =	vld [tilespmem:$0x180]  }
0x85: {  	v3 =	vld [tilespmem:$0x150]  }
0x86: {  	v4 =	vld [tilespmem:$0x170]  }
0x87: {  	v5 =	vld [tilespmem:$0x160]  }
0x88: {  	[tilespmem:$0x2C0] =	vst v1  }
0x89: {  	[tilespmem:$0x2B0] =	vst v2  }
0x8a: {  	[tilespmem:$0x280] =	vst v3  }
0x8b: {  	[tilespmem:$0x2A0] =	vst v4  }
0x8c: {  	[tilespmem:$0x290] =	vst v5  }
0x8d: {  	[tilespmem:s31], [sflag:$0x1] =	stream.indirect.gather [hbm4b:s5+s25], $0x80, s24, s25, $0xb8;
	[tilespmem:$0x1D300] =	vst v63  }
0x8e: {  	_ =	swait.ge [sflag:s28], $0x2800  }
0x8f: {  	[sflag:s28] =	ssyncset.done $0x0  }
0x90: {  	[sflag:s28] =	ssyncadd.s32 $0xFFFFD800  }
0x91: {  	_ =	swait.ge [sflag:s0], $0x2800  }
0x92: {  	s17 =	sshrl.u32 s21, $0x3;
	[sflag:s0] =	ssyncset.done $0x0  }
0x93: {  	s17 =	sadd.s32 s1, s17;
	[sflag:s0] =	ssyncadd.s32 $0xFFFFD800  }
0x94: {  	[tilespmem:s3], [sflag:$0x3] =	stream.linear.gather [hbm4b:s17+s3], $0xA0, $0x38;
	[tilespmem:$0x1D300] =	vst v63  }
0x95: {  	_ = 	snop  }
0x96: {  	[spmem:s2] =	stream.indirect.scatter.add.f32 [tilespmem:s31], [sflag:$0x2], $0x80, s4, s25, $0xb8;
	[tilespmem:$0x1D300] =	vst v63  }
0x97: {  	_ =	swait.ge [sflag:s12], $0xA0  }
0x98: {  	[sflag:s12] =	ssyncset.done $0x0  }
0x99: {  	[sflag:s12] =	ssyncadd.s32 $0xFFFFFF60  }
0x9a: {  	v1 =	vld [tilespmem:$0x50]  }
0x9b: {  	v2 =	vld [tilespmem:$0x90]  }
0x9c: {  	v3 =	vld [tilespmem:$0x60]  }
0x9d: {  	v4 =	vld [tilespmem:$0x80]  }
0x9e: {  	v5 =	vld [tilespmem:$0x70]  }
0x9f: {  	[tilespmem:$0x200] =	vst v1  }
.Ltmp1:
0xa0: {  	[tilespmem:$0x240] =	vst v2;
	(pc) =	sbr.rel @p0 .LBB2_4-.Ltmp1, $4  }
0xa1: {  	[tilespmem:$0x210] =	vst v3  }
0xa2: {  	[tilespmem:$0x230] =	vst v4  }
0xa3: {  	[tilespmem:$0x220] =	vst v5  }
0xa4: {  	[tilespmem:s26], [sflag:$0x1] =	stream.indirect.gather [hbm4b:s5+s25], $0x80, s3, s25, $0xb8;
	[tilespmem:$0x1D300] =	vst v63  }
0xa5: {  	_ =	swait.ge [sflag:s28], $0x2800  }
0xa6: {  	[sflag:s28] =	ssyncset.done $0x0  }
0xa7: {  	[sflag:s28] =	ssyncadd.s32 $0xFFFFD800  }
0xa8: {  	_ =	swait.ge [sflag:s0], $0x2800  }
0xa9: {  	[sflag:s0] =	ssyncset.done $0x0  }
0xaa: {  	s14 =	sadd.s32 s14, s20;
	[sflag:s0] =	ssyncadd.s32 $0xFFFFD800  }
0xab: {  	[tilespmem:s24], [sflag:$0x4] =	stream.linear.gather [hbm4b:s14+s3], $0xA0, $0x38;
	[tilespmem:$0x1D300] =	vst v63  }
0xac: {  	_ = 	snop  }
0xad: {  	[spmem:s2] =	stream.indirect.scatter.add.f32 [tilespmem:s26], [sflag:$0x2], $0x80, s29, s25, $0xb8;
	[tilespmem:$0x1D300] =	vst v63  }
0xae: {  	_ =	swait.ge [sflag:s30], $0xA0  }
0xaf: {  	[sflag:s30] =	ssyncset.done $0x0  }
0xb0: {  	[sflag:s30] =	ssyncadd.s32 $0xFFFFFF60  }
0xb1: {  	v1 =	vld [tilespmem:$0x150]  }
0xb2: {  	v2 =	vld [tilespmem:$0x160]  }
0xb3: {  	v3 =	vld [tilespmem:$0x170]  }
0xb4: {  	v4 =	vld [tilespmem:$0x180]  }
0xb5: {  	v5 =	vld [tilespmem:$0x190]  }
0xb6: {  	[tilespmem:$0x280] =	vst v1  }
0xb7: {  	[tilespmem:$0x290] =	vst v2  }
0xb8: {  	[tilespmem:$0x2A0] =	vst v3  }
0xb9: {  	[tilespmem:$0x2B0] =	vst v4  }
0xba: {  	[tilespmem:$0x2C0] =	vst v5  }
0xbb: {  	[tilespmem:s31], [sflag:$0x1] =	stream.indirect.gather [hbm4b:s5+s25], $0x80, s24, s25, $0xb8;
	[tilespmem:$0x1D300] =	vst v63  }
0xbc: {  	_ =	swait.ge [sflag:s28], $0x2800  }
0xbd: {  	[sflag:s28] =	ssyncset.done $0x0  }
0xbe: {  	[sflag:s28] =	ssyncadd.s32 $0xFFFFD800  }
0xbf: {  	_ =	swait.ge [sflag:s0], $0x2800  }
0xc0: {  	[sflag:s0] =	ssyncset.done $0x0  }
0xc1: {  	[sflag:s0] =	ssyncadd.s32 $0xFFFFD800  }
0xc2: {  	[tilespmem:s3], [sflag:$0x3] =	stream.linear.gather [hbm4b:s19+s3], $0xA0, $0x38;
	[tilespmem:$0x1D300] =	vst v63  }
0xc3: {  	_ = 	snop  }
0xc4: {  	[spmem:s2] =	stream.indirect.scatter.add.f32 [tilespmem:s31], [sflag:$0x2], $0x80, s4, s25, $0xb8;
	[tilespmem:$0x1D300] =	vst v63  }
0xc5: {  	_ =	swait.ge [sflag:s12], $0xA0  }
0xc6: {  	[sflag:s12] =	ssyncset.done $0x0  }
0xc7: {  	[sflag:s12] =	ssyncadd.s32 $0xFFFFFF60  }
0xc8: {  	v1 =	vld [tilespmem:$0x50]  }
0xc9: {  	v2 =	vld [tilespmem:$0x60]  }
0xca: {  	v3 =	vld [tilespmem:$0x70]  }
0xcb: {  	v62 =	vld [tilespmem:$0x80]  }
0xcc: {  	v63 =	vld [tilespmem:$0x90]  }
0xcd: {  	[tilespmem:$0x200] =	vst v1  }
0xce: {  	[tilespmem:$0x210] =	vst v2  }
0xcf: {  	[tilespmem:$0x220] =	vst v3  }
0xd0: {  	[tilespmem:$0x230] =	vst v62  }
0xd1: {  	[tilespmem:$0x240] =	vst v63  }
0xd2: {  	[tilespmem:s26], [sflag:$0x1] =	stream.indirect.gather [hbm4b:s5+s25], $0x80, s3, s25, $0xb8;
	[tilespmem:$0x1D300] =	vst v63  }
0xd3: {  	_ =	swait.ge [sflag:s28], $0x2800  }
0xd4: {  	[sflag:s28] =	ssyncset.done $0x0  }
0xd5: {  	[sflag:s28] =	ssyncadd.s32 $0xFFFFD800  }
0xd6: {  	_ =	swait.ge [sflag:s0], $0x2800  }
0xd7: {  	[sflag:s0] =	ssyncset.done $0x0  }
0xd8: {  	[sflag:s0] =	ssyncadd.s32 $0xFFFFD800  }
0xd9: {  	[tilespmem:s24], [sflag:$0x4] =	stream.linear.gather [hbm4b:s19+s3], $0xA0, $0x38;
	[tilespmem:$0x1D300] =	vst v63  }
0xda: {  	_ = 	snop  }
0xdb: {  	[spmem:s2] =	stream.indirect.scatter.add.f32 [tilespmem:s26], [sflag:$0x2], $0x80, s29, s25, $0xb8;
	[tilespmem:$0x1D300] =	vst v63  }
0xdc: {  	_ =	swait.ge [sflag:s0], $0x2800  }
0xdd: {  	[sflag:s0] =	ssyncset.done $0x0  }
0xde: {  	[sflag:s0] =	ssyncadd.s32 $0xFFFFD800  }
0xdf: {  	_ =	swait.ge [sflag:s30], $0xA0  }
0xe0: {  	[sflag:s30] =	ssyncset.done $0x0  }
0xe1: {  	[sflag:s30] =	ssyncadd.s32 $0xFFFFFF60  }
0xe2: {  	[bflag:$0x0] =	sbarrier.arrive $0xFFFF  }
0xe3: {  	[tilespmem:s22], [sflag:$0x5] =	stream.linear.gather [spmem:s6], $0x4000, $0x38;
	[tilespmem:$0x1D300] =	vst v63  }
0xe4: {  	_ =	swait.ge [sflag:s23], $0x4000  }
0xe5: {  	[sflag:s23] =	ssyncset.done $0x0  }
0xe6: {  	s18 =	rddreg [dreg:$0x5];
	[sflag:s23] =	ssyncadd.s32 $0xFFFFC000  }
0xe7: {  	[hbm4b:s18+s3] =	stream.linear.scatter [tilespmem:s22], [sflag:$0x5], $0x4000, $0x38;
	[tilespmem:$0x1D300] =	vst v63  }
0xe8: {  	_ =	swait.ge [sflag:s23], $0x4000  }
0xe9: {  	[sflag:s23] =	ssyncset.done $0x0  }
0xea: {  	[sflag:s23] =	ssyncadd.s32 $0xFFFFC000  }
0xeb: {  	[tilespmem:s22], [sflag:$0x5] =	stream.linear.gather [spmem:s7], $0x4000, $0x38;
	[tilespmem:$0x1D300] =	vst v63  }
0xec: {  	_ =	swait.ge [sflag:s23], $0x4000  }
0xed: {  	[sflag:s23] =	ssyncset.done $0x0  }
0xee: {  	s21 =	rddreg [dreg:$0x6];
	[sflag:s23] =	ssyncadd.s32 $0xFFFFC000  }
0xef: {  	[hbm4b:s21+s3] =	stream.linear.scatter [tilespmem:s22], [sflag:$0x5], $0x4000, $0x38;
	[tilespmem:$0x1D300] =	vst v63  }
0xf0: {  	_ =	swait.ge [sflag:s23], $0x4000  }
0xf1: {  	[sflag:s23] =	ssyncset.done $0x0  }
0xf2: {  	[sflag:s23] =	ssyncadd.s32 $0xFFFFC000  }
0xf3: {  	[tilespmem:s22], [sflag:$0x5] =	stream.linear.gather [spmem:s8], $0x4000, $0x38;
	[tilespmem:$0x1D300] =	vst v63  }
0xf4: {  	_ =	swait.ge [sflag:s23], $0x4000  }
0xf5: {  	[sflag:s23] =	ssyncset.done $0x0  }
0xf6: {  	s15 =	rddreg [dreg:$0x7];
	[sflag:s23] =	ssyncadd.s32 $0xFFFFC000  }
0xf7: {  	[hbm4b:s15+s3] =	stream.linear.scatter [tilespmem:s22], [sflag:$0x5], $0x4000, $0x38;
	[tilespmem:$0x1D300] =	vst v63  }
0xf8: {  	_ =	swait.ge [sflag:s23], $0x4000  }
0xf9: {  	[sflag:s23] =	ssyncset.done $0x0  }
0xfa: {  	[sflag:s23] =	ssyncadd.s32 $0xFFFFC000  }
0xfb: {  	[tilespmem:s22], [sflag:$0x5] =	stream.linear.gather [spmem:s9], $0x4000, $0x38;
	[tilespmem:$0x1D300] =	vst v63  }
0xfc: {  	_ =	swait.ge [sflag:s23], $0x4000  }
0xfd: {  	[sflag:s23] =	ssyncset.done $0x0  }
0xfe: {  	s17 =	rddreg [dreg:$0x8];
	[sflag:s23] =	ssyncadd.s32 $0xFFFFC000  }
0xff: {  	[hbm4b:s17+s3] =	stream.linear.scatter [tilespmem:s22], [sflag:$0x5], $0x4000, $0x38;
	[tilespmem:$0x1D300] =	vst v63  }
0x100: {  	_ =	swait.ge [sflag:s23], $0x4000  }
0x101: {  	[sflag:s23] =	ssyncset.done $0x0  }
0x102: {  	[sflag:s23] =	ssyncadd.s32 $0xFFFFC000  }
0x103: {  	[tilespmem:s22], [sflag:$0x5] =	stream.linear.gather [spmem:s10], $0x4000, $0x38;
	[tilespmem:$0x1D300] =	vst v63  }
0x104: {  	_ =	swait.ge [sflag:s23], $0x4000  }
0x105: {  	[sflag:s23] =	ssyncset.done $0x0  }
0x106: {  	s18 =	rddreg [dreg:$0x9];
	[sflag:s23] =	ssyncadd.s32 $0xFFFFC000  }
0x107: {  	[hbm4b:s18+s3] =	stream.linear.scatter [tilespmem:s22], [sflag:$0x5], $0x4000, $0x38;
	[tilespmem:$0x1D300] =	vst v63  }
0x108: {  	_ =	swait.ge [sflag:s23], $0x4000  }
0x109: {  	s13 =	sadd.s32 $0x1, s13;
	s21 =	rddreg [dreg:$0xa]  }
0x10a: {  	p0 =	sne.s32 s13, s21  }
.Ltmp2:
0x10b: {  	_ = 	snop;
	(pc) =	sbr.rel @p0 .LBB2_1-.Ltmp2, $3  }
0x10c: {  	_ =	sdelay $0x1  }
0x10d: {  	[sflag:s23] =	ssyncset.done $0x0  }
0x10e: {  	[sflag:s23] =	ssyncadd.s32 $0xFFFFC000  }
0x10f: {  	_ =	sfence.sel $0x180000  }
0x110: {  	[bflag:$0x0] =	sbarrier.arrive $0xFFFF  }
0x111: {  	_ =	strace $0x9000004A  }
0x112: {  	s0 =	stileid.u32;
	[bflag:$0x2] =	sbarrier.arrive $0xFFFF  }
0x113: {  	p0 =	sne.s32 s0, $0x0;
	s0 =	rddreg [dreg:$0x3]  }
0x114: {  	s0 =	sadd.s32 @!p0 $0x100000, s0  }
0x115: {  	[sflag:s0] =	ssyncadd.tile.s32 @!p0 $0x1;
	_ =	shalt  }
.Lfunc_end2:
_tile_overlayer_lowered:
.L_overlay_start_2:
0x116: {  	(tag) =	ssettag $0x2  }
0x117: {  	s0 =	rddreg [dreg:$0x0];
	s2 =	stileid.u32  }
0x118: {  	s1 =	rddreg [dreg:$0x1];
	p0 =	sne.s32 s2, $0x0  }
0x119: {  	s3 =	rddreg [dreg:$0x2];
	[bflag:$0x3] =	sbarrier.arrive $0xFFFF;
	s2 =	simm.s32 @!p0 $0x1C05  }
0x11a: {  	[timem:s3], [sflag:s2] =	dma.local @!p0 [hbm:s0], s1  }
0x11b: {  	s0 =	simm.s32 @!p0 $0x5  }
0x11c: {  	_ =	swait.ge @!p0 [sflag:s0], s1  }
0x11d: {  	s1 =	ssub.s32 @!p0 $0x0, s1;
	[sflag:s0] =	ssyncset.done @!p0 $0x0  }
0x11e: {  	[sflag:s0] =	ssyncadd.s32 @!p0 s1  }
0x11f: {  	[bflag:$0x3] =	sbarrier.arrive $0xFFFF  }
0x120: {  	_ =	shalt  }

</sc_bundles>
